<compile_context>
chip_gen: v7x
topology: tpu7x:2x2x1
jax: 0.10.2.dev20260603
libtpu: 0.0.44.dev20260713+nightly
codegen_flags: <defaults>
</compile_context>

<pallas_src>
import functools

import jax
import jax.numpy as jnp
from jax import lax
from jax.experimental import pallas as pl
from jax.experimental.pallas import tpu as pltpu
from jax.experimental.pallas import tpu_sc as plsc

VOCAB_N = 1000000
EMBED_N = 64
TOTAL_N = 4096 * 200
NUM_CORES = 2
NUM_SUBCORES = 16
NUM_WORKERS = NUM_CORES * NUM_SUBCORES
PER_WORKER = TOTAL_N // NUM_WORKERS
CHUNK = 128
SUP = 512
GPB = SUP // CHUNK
NSUP = PER_WORKER // SUP
NBUF = 2
SCALE = 8.0

_MESH = plsc.VectorSubcoreMesh(
    core_axis_name="c", subcore_axis_name="s", num_cores=NUM_CORES,
    num_subcores=NUM_SUBCORES)


@functools.partial(
    pl.kernel,
    out_type=jax.ShapeDtypeStruct((TOTAL_N, EMBED_N), jnp.float32),
    mesh=_MESH,
    scratch_types=[
        pltpu.VMEM((PER_WORKER // CHUNK, CHUNK), jnp.int32),
        pltpu.VMEM((SUP, EMBED_N), jnp.float32),
        pltpu.VMEM((SUP, EMBED_N), jnp.float32),
        pltpu.SemaphoreType.DMA,
        pltpu.SemaphoreType.DMA,
        pltpu.SemaphoreType.DMA,
        pltpu.SemaphoreType.DMA,
    ],
    compiler_params=pltpu.CompilerParams(use_tc_tiling_on_sc=False),
)
def _embed_lookup(idx_hbm, table_hbm, out_hbm, idx_v, rows0, rows1,
                  gsem0, gsem1, osem0, osem1):
    wid = lax.axis_index("s") * NUM_CORES + lax.axis_index("c")
    base = wid * PER_WORKER
    rows = (rows0, rows1)
    gsem = (gsem0, gsem1)
    osem = (osem0, osem1)

    pltpu.sync_copy(idx_hbm.at[wid], idx_v)

    def gather_part(s, b, k):
        return (table_hbm.at[idx_v.at[s * GPB + k]],
                rows[b].at[pl.ds(k * CHUNK, CHUNK)], gsem[b])

    def out_part(s, b):
        return rows[b], out_hbm.at[pl.ds(base + s * SUP, SUP)], osem[b]

    def scale_slice(b, k):
        def row_body(i, carry):
            for j in range(EMBED_N // 16):
                sl = pl.ds(j * 16, 16)
                rows[b][i, sl] = rows[b][i, sl] * SCALE
            return carry
        lax.fori_loop(k * CHUNK, (k + 1) * CHUNK, row_body, 0, unroll=2)

    for k in range(GPB):
        pltpu.async_copy(*gather_part(0, 0, k))

    @pl.loop(0, NSUP, step=NBUF)
    def _(s0):
        for b in range(NBUF):
            s = s0 + b
            bn = (b + 1) % NBUF

            @pl.when(s + 1 < NSUP)
            def _():
                @pl.when(s + 1 >= NBUF)
                def _():
                    pltpu.make_async_copy(*out_part(s + 1 - NBUF, bn)).wait()
                for k in range(GPB):
                    pltpu.async_copy(*gather_part(s + 1, bn, k))

            for k in range(GPB):
                pltpu.make_async_copy(*gather_part(s, b, k)).wait()
                scale_slice(b, k)

            pltpu.async_copy(*out_part(s, b))

    for b in range(NBUF):
        pltpu.make_async_copy(*out_part(NSUP - NBUF + b, b)).wait()


def kernel(x, table):
    xf = x.reshape(NUM_WORKERS, PER_WORKER // CHUNK, CHUNK)
    out = _embed_lookup(xf, table)
    return out.reshape(x.shape[0], x.shape[1], EMBED_N)

# --- scband reference (transcript-rebuilt; emitter-appended) ---
"""Pipeline reference for scband-input-embeddings-13245679140883 (READ-ONLY COPY).

The authoritative reference and input builder live on the scoring server;
editing this copy changes nothing except your own understanding.
"""

import jax, jax.numpy as jnp
import numpy as np

VOCAB = 1000000
EMBED = 64
BATCH = 4096
SEQ = 200

def setup_inputs(seed: int = 0) -> dict:
    key = jax.random.key(seed)
    k1, k2 = jax.random.split(key)
    x = jax.random.randint(k1, (BATCH, SEQ), 0, VOCAB, dtype=jnp.int64 if jax.config.jax_enable_x64 else jnp.int32)
    table = jax.random.normal(k2, (VOCAB, EMBED), dtype=jnp.float32) * 0.02
    return {"x": x, "table": table}

def reference(x, table):
    # InputEmbeddings.forward: embedding(x) * sqrt(embed_size)
    emb = jnp.take(table, x, axis=0)
    return emb * jnp.sqrt(jnp.asarray(float(EMBED), dtype=jnp.float32))

if __name__ == "__main__":
    import jax
    _d = setup_inputs()
    print(jax.jit(kernel)(*tuple(_d.values())))

</pallas_src>

<mosaic_0001>
#map = affine_map<(d0, d1) -> (0, 0, 0)>
#map1 = affine_map<(d0, d1) -> (0, 0)>
module attributes {stable_mosaic.version = 14 : i64} {
  func.func @_embed_lookup(%arg0: i32, %arg1: i32, %arg2: memref<32x200x128xi32, #tpu.memory_space<hbm>>, %arg3: memref<1000000x64xf32, #tpu.memory_space<hbm>>, %arg4: memref<819200x64xf32, #tpu.memory_space<hbm>>, %arg5: memref<200x128xi32, #tpu.memory_space<vmem>>, %arg6: memref<512x64xf32, #tpu.memory_space<vmem>>, %arg7: memref<512x64xf32, #tpu.memory_space<vmem>>, %arg8: memref<!tpu.dma_semaphore, #tpu.memory_space<semaphore_mem>>, %arg9: memref<!tpu.dma_semaphore, #tpu.memory_space<semaphore_mem>>, %arg10: memref<!tpu.dma_semaphore, #tpu.memory_space<semaphore_mem>>, %arg11: memref<!tpu.dma_semaphore, #tpu.memory_space<semaphore_mem>>) attributes {dimension_semantics = [#tpu.dimension_semantics<core_parallel>, #tpu.dimension_semantics<subcore_parallel>], iteration_bounds = array<i64: 2, 16>, scalar_prefetch = 0 : i64, scratch_operands = 7 : i64, tpu.core_type = #tpu.core_type<sc_vector_subcore>, window_params = [{transform_indices = #map}, {transform_indices = #map1}, {transform_indices = #map1}]} {
    %mul3A = arith.constant 2 : i32
    %mul3A_0 = arith.muli %arg1, %mul3A : i32
    %add3A = arith.addi %mul3A_0, %arg0 : i32
    %mul3A_1 = arith.constant 25600 : i32
    %mul3A_2 = arith.muli %add3A, %mul3A_1 : i32
    "tpu.region"() ({
      %run_scoped3A = tpu.sem_alloc : memref<!tpu.dma_semaphore, #tpu.memory_space<semaphore_mem>>
      %dma_start3A_57 = arith.constant 0 : i32
      %dma_start3A_58 = arith.constant 0 : i32
      %dma_start3A_59 = tpu.memref_slice %arg2[%add3A, %dma_start3A_57, %dma_start3A_58] : memref<32x200x128xi32, #tpu.memory_space<hbm>> -> memref<1x200x128xi32, #tpu.memory_space<hbm>>
      %dma_start3A_60 = tpu.memref_squeeze %dma_start3A_59 : memref<1x200x128xi32, #tpu.memory_space<hbm>> -> memref<200x128xi32, #tpu.memory_space<hbm>>
      %dma_start3A_61 = arith.constant 0 : i32
      %dma_start3A_62 = arith.constant 0 : i32
      %dma_start3A_63 = tpu.memref_slice %arg2[%add3A, %dma_start3A_61, %dma_start3A_62] : memref<32x200x128xi32, #tpu.memory_space<hbm>> -> memref<1x200x128xi32, #tpu.memory_space<hbm>>
      %dma_start3A_64 = tpu.memref_squeeze %dma_start3A_63 : memref<1x200x128xi32, #tpu.memory_space<hbm>> -> memref<200x128xi32, #tpu.memory_space<hbm>>
      tpu.enqueue_dma source(%dma_start3A_64 : memref<200x128xi32, #tpu.memory_space<hbm>>) target(%arg5 : memref<200x128xi32, #tpu.memory_space<vmem>>) target_semaphore(%run_scoped3A : memref<!tpu.dma_semaphore, #tpu.memory_space<semaphore_mem>>)
      %dma_wait3A_65 = arith.constant 0 : i32
      %dma_wait3A_66 = arith.constant 0 : i32
      %dma_wait3A_67 = tpu.memref_slice %arg2[%add3A, %dma_wait3A_65, %dma_wait3A_66] : memref<32x200x128xi32, #tpu.memory_space<hbm>> -> memref<1x200x128xi32, #tpu.memory_space<hbm>>
      %dma_wait3A_68 = tpu.memref_squeeze %dma_wait3A_67 : memref<1x200x128xi32, #tpu.memory_space<hbm>> -> memref<200x128xi32, #tpu.memory_space<hbm>>
      %dma_wait3A_69 = arith.constant 0 : i32
      %dma_wait3A_70 = arith.constant 0 : i32
      %dma_wait3A_71 = tpu.memref_slice %arg2[%add3A, %dma_wait3A_69, %dma_wait3A_70] : memref<32x200x128xi32, #tpu.memory_space<hbm>> -> memref<1x200x128xi32, #tpu.memory_space<hbm>>
      %dma_wait3A_72 = tpu.memref_squeeze %dma_wait3A_71 : memref<1x200x128xi32, #tpu.memory_space<hbm>> -> memref<200x128xi32, #tpu.memory_space<hbm>>
      tpu.wait_dma2 semaphore(%run_scoped3A : memref<!tpu.dma_semaphore, #tpu.memory_space<semaphore_mem>>) src(%dma_wait3A_72 : memref<200x128xi32, #tpu.memory_space<hbm>>) dst(%arg5 : memref<200x128xi32, #tpu.memory_space<vmem>>)
      tpu.yield
    }) : () -> ()
    %dma_start3A = arith.constant 0 : i32
    %dma_start3A_3 = arith.constant 0 : i32
    %dma_start3A_4 = arith.constant 0 : i32
    %dma_start3A_5 = tpu.memref_slice %arg6[%dma_start3A_3, %dma_start3A_4] : memref<512x64xf32, #tpu.memory_space<vmem>> -> memref<128x64xf32, #tpu.memory_space<vmem>>
    %dma_start3A_6 = arith.constant 0 : i32
    %dma_start3A_7 = tpu.memref_slice %arg5[%dma_start3A, %dma_start3A_6] : memref<200x128xi32, #tpu.memory_space<vmem>> -> memref<1x128xi32, #tpu.memory_space<vmem>>
    %dma_start3A_8 = tpu.memref_squeeze %dma_start3A_7 : memref<1x128xi32, #tpu.memory_space<vmem>> -> memref<128xi32, #tpu.memory_space<vmem>>
    %dma_start3A_9 = arith.constant 0 : i32
    %dma_start3A_10 = arith.constant 0 : i32
    %dma_start3A_11 = tpu.memref_slice %arg3[%dma_start3A_9, %dma_start3A_10] : memref<1000000x64xf32, #tpu.memory_space<hbm>> -> memref<1000000x64xf32, #tpu.memory_space<hbm>>
    tpu.enqueue_indirect_dma source(%dma_start3A_11 : memref<1000000x64xf32, #tpu.memory_space<hbm>>) target(%dma_start3A_5 : memref<128x64xf32, #tpu.memory_space<vmem>>) offsets(%dma_start3A_8 : memref<128xi32, #tpu.memory_space<vmem>>) semaphore(%arg8 : memref<!tpu.dma_semaphore, #tpu.memory_space<semaphore_mem>>)
    %dma_start3A_12 = arith.constant 1 : i32
    %dma_start3A_13 = arith.constant 128 : i32
    %dma_start3A_14 = arith.constant 0 : i32
    %dma_start3A_15 = tpu.memref_slice %arg6[%dma_start3A_13, %dma_start3A_14] : memref<512x64xf32, #tpu.memory_space<vmem>> -> memref<128x64xf32, #tpu.memory_space<vmem>>
    %dma_start3A_16 = arith.constant 0 : i32
    %dma_start3A_17 = tpu.memref_slice %arg5[%dma_start3A_12, %dma_start3A_16] : memref<200x128xi32, #tpu.memory_space<vmem>> -> memref<1x128xi32, #tpu.memory_space<vmem>>
    %dma_start3A_18 = tpu.memref_squeeze %dma_start3A_17 : memref<1x128xi32, #tpu.memory_space<vmem>> -> memref<128xi32, #tpu.memory_space<vmem>>
    %dma_start3A_19 = arith.constant 0 : i32
    %dma_start3A_20 = arith.constant 0 : i32
    %dma_start3A_21 = tpu.memref_slice %arg3[%dma_start3A_19, %dma_start3A_20] : memref<1000000x64xf32, #tpu.memory_space<hbm>> -> memref<1000000x64xf32, #tpu.memory_space<hbm>>
    tpu.enqueue_indirect_dma source(%dma_start3A_21 : memref<1000000x64xf32, #tpu.memory_space<hbm>>) target(%dma_start3A_15 : memref<128x64xf32, #tpu.memory_space<vmem>>) offsets(%dma_start3A_18 : memref<128xi32, #tpu.memory_space<vmem>>) semaphore(%arg8 : memref<!tpu.dma_semaphore, #tpu.memory_space<semaphore_mem>>)
    %dma_start3A_22 = arith.constant 2 : i32
    %dma_start3A_23 = arith.constant 256 : i32
    %dma_start3A_24 = arith.constant 0 : i32
    %dma_start3A_25 = tpu.memref_slice %arg6[%dma_start3A_23, %dma_start3A_24] : memref<512x64xf32, #tpu.memory_space<vmem>> -> memref<128x64xf32, #tpu.memory_space<vmem>>
    %dma_start3A_26 = arith.constant 0 : i32
    %dma_start3A_27 = tpu.memref_slice %arg5[%dma_start3A_22, %dma_start3A_26] : memref<200x128xi32, #tpu.memory_space<vmem>> -> memref<1x128xi32, #tpu.memory_space<vmem>>
    %dma_start3A_28 = tpu.memref_squeeze %dma_start3A_27 : memref<1x128xi32, #tpu.memory_space<vmem>> -> memref<128xi32, #tpu.memory_space<vmem>>
    %dma_start3A_29 = arith.constant 0 : i32
    %dma_start3A_30 = arith.constant 0 : i32
    %dma_start3A_31 = tpu.memref_slice %arg3[%dma_start3A_29, %dma_start3A_30] : memref<1000000x64xf32, #tpu.memory_space<hbm>> -> memref<1000000x64xf32, #tpu.memory_space<hbm>>
    tpu.enqueue_indirect_dma source(%dma_start3A_31 : memref<1000000x64xf32, #tpu.memory_space<hbm>>) target(%dma_start3A_25 : memref<128x64xf32, #tpu.memory_space<vmem>>) offsets(%dma_start3A_28 : memref<128xi32, #tpu.memory_space<vmem>>) semaphore(%arg8 : memref<!tpu.dma_semaphore, #tpu.memory_space<semaphore_mem>>)
    %dma_start3A_32 = arith.constant 3 : i32
    %dma_start3A_33 = arith.constant 384 : i32
    %dma_start3A_34 = arith.constant 0 : i32
    %dma_start3A_35 = tpu.memref_slice %arg6[%dma_start3A_33, %dma_start3A_34] : memref<512x64xf32, #tpu.memory_space<vmem>> -> memref<128x64xf32, #tpu.memory_space<vmem>>
    %dma_start3A_36 = arith.constant 0 : i32
    %dma_start3A_37 = tpu.memref_slice %arg5[%dma_start3A_32, %dma_start3A_36] : memref<200x128xi32, #tpu.memory_space<vmem>> -> memref<1x128xi32, #tpu.memory_space<vmem>>
    %dma_start3A_38 = tpu.memref_squeeze %dma_start3A_37 : memref<1x128xi32, #tpu.memory_space<vmem>> -> memref<128xi32, #tpu.memory_space<vmem>>
    %dma_start3A_39 = arith.constant 0 : i32
    %dma_start3A_40 = arith.constant 0 : i32
    %dma_start3A_41 = tpu.memref_slice %arg3[%dma_start3A_39, %dma_start3A_40] : memref<1000000x64xf32, #tpu.memory_space<hbm>> -> memref<1000000x64xf32, #tpu.memory_space<hbm>>
    tpu.enqueue_indirect_dma source(%dma_start3A_41 : memref<1000000x64xf32, #tpu.memory_space<hbm>>) target(%dma_start3A_35 : memref<128x64xf32, #tpu.memory_space<vmem>>) offsets(%dma_start3A_38 : memref<128xi32, #tpu.memory_space<vmem>>) semaphore(%arg8 : memref<!tpu.dma_semaphore, #tpu.memory_space<semaphore_mem>>)
    %scan3A = arith.constant 0 : i32
    %scan3A_42 = arith.constant 25 : i32
    %scan3A_43 = arith.addi %scan3A, %scan3A_42 : i32
    %scan3A_44 = arith.constant 1 : i32
    scf.for %scan3A_57 = %scan3A to %scan3A_43 step %scan3A_44  : i32 {
      %mul3A_58 = arith.constant 2 : i32
      %mul3A_59 = arith.muli %scan3A_57, %mul3A_58 : i32
      %add3A_60 = arith.constant 0 : i32
      %add3A_61 = arith.addi %add3A_60, %mul3A_59 : i32
      %add3A_62 = arith.constant 0 : i32
      %add3A_63 = arith.addi %add3A_61, %add3A_62 : i32
      %add3A_64 = arith.constant 1 : i32
      %add3A_65 = arith.addi %add3A_63, %add3A_64 : i32
      %lt3A = arith.constant 50 : i32
      %lt3A_66 = arith.cmpi slt, %add3A_65, %lt3A : i32
      %convert_element_type3A = arith.extui %lt3A_66 : i1 to i32
      %cond3A = arith.constant 0 : i32
      %cond3A_67 = arith.cmpi ne, %convert_element_type3A, %cond3A : i32
      scf.if %cond3A_67 {
        %add3A_243 = arith.constant 1 : i32
        %add3A_244 = arith.addi %add3A_63, %add3A_243 : i32
        %ge3A = arith.constant 2 : i32
        %ge3A_245 = arith.cmpi sge, %add3A_244, %ge3A : i32
        %convert_element_type3A_246 = arith.extui %ge3A_245 : i1 to i32
        %cond3A_247 = arith.constant 0 : i32
        %cond3A_248 = arith.cmpi ne, %convert_element_type3A_246, %cond3A_247 : i32
        scf.if %cond3A_248 {
          %add3A_309 = arith.constant 1 : i32
          %add3A_310 = arith.addi %add3A_63, %add3A_309 : i32
          %sub3A = arith.constant 2 : i32
          %sub3A_311 = arith.subi %add3A_310, %sub3A : i32
          %mul3A_312 = arith.constant 512 : i32
          %mul3A_313 = arith.muli %sub3A_311, %mul3A_312 : i32
          %add3A_314 = arith.addi %mul3A_2, %mul3A_313 : i32
          %dma_wait3A_315 = arith.constant 0 : i32
          %dma_wait3A_316 = tpu.memref_slice %arg4[%add3A_314, %dma_wait3A_315] : memref<819200x64xf32, #tpu.memory_space<hbm>> -> memref<512x64xf32, #tpu.memory_space<hbm>>
          %dma_wait3A_317 = arith.constant 0 : i32
          %dma_wait3A_318 = tpu.memref_slice %arg4[%add3A_314, %dma_wait3A_317] : memref<819200x64xf32, #tpu.memory_space<hbm>> -> memref<512x64xf32, #tpu.memory_space<hbm>>
          tpu.wait_dma2 semaphore(%arg11 : memref<!tpu.dma_semaphore, #tpu.memory_space<semaphore_mem>>) src(%arg7 : memref<512x64xf32, #tpu.memory_space<vmem>>) dst(%dma_wait3A_318 : memref<512x64xf32, #tpu.memory_space<hbm>>)
        } else {
        }
        %add3A_249 = arith.constant 1 : i32
        %add3A_250 = arith.addi %add3A_63, %add3A_249 : i32
        %mul3A_251 = arith.constant 4 : i32
        %mul3A_252 = arith.muli %add3A_250, %mul3A_251 : i32
        %add3A_253 = arith.constant 0 : i32
        %add3A_254 = arith.addi %mul3A_252, %add3A_253 : i32
        %dma_start3A_255 = arith.constant 0 : i32
        %dma_start3A_256 = arith.constant 0 : i32
        %dma_start3A_257 = tpu.memref_slice %arg7[%dma_start3A_255, %dma_start3A_256] : memref<512x64xf32, #tpu.memory_space<vmem>> -> memref<128x64xf32, #tpu.memory_space<vmem>>
        %dma_start3A_258 = arith.constant 0 : i32
        %dma_start3A_259 = tpu.memref_slice %arg5[%add3A_254, %dma_start3A_258] : memref<200x128xi32, #tpu.memory_space<vmem>> -> memref<1x128xi32, #tpu.memory_space<vmem>>
        %dma_start3A_260 = tpu.memref_squeeze %dma_start3A_259 : memref<1x128xi32, #tpu.memory_space<vmem>> -> memref<128xi32, #tpu.memory_space<vmem>>
        %dma_start3A_261 = arith.constant 0 : i32
        %dma_start3A_262 = arith.constant 0 : i32
        %dma_start3A_263 = tpu.memref_slice %arg3[%dma_start3A_261, %dma_start3A_262] : memref<1000000x64xf32, #tpu.memory_space<hbm>> -> memref<1000000x64xf32, #tpu.memory_space<hbm>>
        tpu.enqueue_indirect_dma source(%dma_start3A_263 : memref<1000000x64xf32, #tpu.memory_space<hbm>>) target(%dma_start3A_257 : memref<128x64xf32, #tpu.memory_space<vmem>>) offsets(%dma_start3A_260 : memref<128xi32, #tpu.memory_space<vmem>>) semaphore(%arg9 : memref<!tpu.dma_semaphore, #tpu.memory_space<semaphore_mem>>)
        %add3A_264 = arith.constant 1 : i32
        %add3A_265 = arith.addi %add3A_63, %add3A_264 : i32
        %mul3A_266 = arith.constant 4 : i32
        %mul3A_267 = arith.muli %add3A_265, %mul3A_266 : i32
        %add3A_268 = arith.constant 1 : i32
        %add3A_269 = arith.addi %mul3A_267, %add3A_268 : i32
        %dma_start3A_270 = arith.constant 128 : i32
        %dma_start3A_271 = arith.constant 0 : i32
        %dma_start3A_272 = tpu.memref_slice %arg7[%dma_start3A_270, %dma_start3A_271] : memref<512x64xf32, #tpu.memory_space<vmem>> -> memref<128x64xf32, #tpu.memory_space<vmem>>
        %dma_start3A_273 = arith.constant 0 : i32
        %dma_start3A_274 = tpu.memref_slice %arg5[%add3A_269, %dma_start3A_273] : memref<200x128xi32, #tpu.memory_space<vmem>> -> memref<1x128xi32, #tpu.memory_space<vmem>>
        %dma_start3A_275 = tpu.memref_squeeze %dma_start3A_274 : memref<1x128xi32, #tpu.memory_space<vmem>> -> memref<128xi32, #tpu.memory_space<vmem>>
        %dma_start3A_276 = arith.constant 0 : i32
        %dma_start3A_277 = arith.constant 0 : i32
        %dma_start3A_278 = tpu.memref_slice %arg3[%dma_start3A_276, %dma_start3A_277] : memref<1000000x64xf32, #tpu.memory_space<hbm>> -> memref<1000000x64xf32, #tpu.memory_space<hbm>>
        tpu.enqueue_indirect_dma source(%dma_start3A_278 : memref<1000000x64xf32, #tpu.memory_space<hbm>>) target(%dma_start3A_272 : memref<128x64xf32, #tpu.memory_space<vmem>>) offsets(%dma_start3A_275 : memref<128xi32, #tpu.memory_space<vmem>>) semaphore(%arg9 : memref<!tpu.dma_semaphore, #tpu.memory_space<semaphore_mem>>)
        %add3A_279 = arith.constant 1 : i32
        %add3A_280 = arith.addi %add3A_63, %add3A_279 : i32
        %mul3A_281 = arith.constant 4 : i32
        %mul3A_282 = arith.muli %add3A_280, %mul3A_281 : i32
        %add3A_283 = arith.constant 2 : i32
        %add3A_284 = arith.addi %mul3A_282, %add3A_283 : i32
        %dma_start3A_285 = arith.constant 256 : i32
        %dma_start3A_286 = arith.constant 0 : i32
        %dma_start3A_287 = tpu.memref_slice %arg7[%dma_start3A_285, %dma_start3A_286] : memref<512x64xf32, #tpu.memory_space<vmem>> -> memref<128x64xf32, #tpu.memory_space<vmem>>
        %dma_start3A_288 = arith.constant 0 : i32
        %dma_start3A_289 = tpu.memref_slice %arg5[%add3A_284, %dma_start3A_288] : memref<200x128xi32, #tpu.memory_space<vmem>> -> memref<1x128xi32, #tpu.memory_space<vmem>>
        %dma_start3A_290 = tpu.memref_squeeze %dma_start3A_289 : memref<1x128xi32, #tpu.memory_space<vmem>> -> memref<128xi32, #tpu.memory_space<vmem>>
        %dma_start3A_291 = arith.constant 0 : i32
        %dma_start3A_292 = arith.constant 0 : i32
        %dma_start3A_293 = tpu.memref_slice %arg3[%dma_start3A_291, %dma_start3A_292] : memref<1000000x64xf32, #tpu.memory_space<hbm>> -> memref<1000000x64xf32, #tpu.memory_space<hbm>>
        tpu.enqueue_indirect_dma source(%dma_start3A_293 : memref<1000000x64xf32, #tpu.memory_space<hbm>>) target(%dma_start3A_287 : memref<128x64xf32, #tpu.memory_space<vmem>>) offsets(%dma_start3A_290 : memref<128xi32, #tpu.memory_space<vmem>>) semaphore(%arg9 : memref<!tpu.dma_semaphore, #tpu.memory_space<semaphore_mem>>)
        %add3A_294 = arith.constant 1 : i32
        %add3A_295 = arith.addi %add3A_63, %add3A_294 : i32
        %mul3A_296 = arith.constant 4 : i32
        %mul3A_297 = arith.muli %add3A_295, %mul3A_296 : i32
        %add3A_298 = arith.constant 3 : i32
        %add3A_299 = arith.addi %mul3A_297, %add3A_298 : i32
        %dma_start3A_300 = arith.constant 384 : i32
        %dma_start3A_301 = arith.constant 0 : i32
        %dma_start3A_302 = tpu.memref_slice %arg7[%dma_start3A_300, %dma_start3A_301] : memref<512x64xf32, #tpu.memory_space<vmem>> -> memref<128x64xf32, #tpu.memory_space<vmem>>
        %dma_start3A_303 = arith.constant 0 : i32
        %dma_start3A_304 = tpu.memref_slice %arg5[%add3A_299, %dma_start3A_303] : memref<200x128xi32, #tpu.memory_space<vmem>> -> memref<1x128xi32, #tpu.memory_space<vmem>>
        %dma_start3A_305 = tpu.memref_squeeze %dma_start3A_304 : memref<1x128xi32, #tpu.memory_space<vmem>> -> memref<128xi32, #tpu.memory_space<vmem>>
        %dma_start3A_306 = arith.constant 0 : i32
        %dma_start3A_307 = arith.constant 0 : i32
        %dma_start3A_308 = tpu.memref_slice %arg3[%dma_start3A_306, %dma_start3A_307] : memref<1000000x64xf32, #tpu.memory_space<hbm>> -> memref<1000000x64xf32, #tpu.memory_space<hbm>>
        tpu.enqueue_indirect_dma source(%dma_start3A_308 : memref<1000000x64xf32, #tpu.memory_space<hbm>>) target(%dma_start3A_302 : memref<128x64xf32, #tpu.memory_space<vmem>>) offsets(%dma_start3A_305 : memref<128xi32, #tpu.memory_space<vmem>>) semaphore(%arg9 : memref<!tpu.dma_semaphore, #tpu.memory_space<semaphore_mem>>)
      } else {
      }
      %mul3A_68 = arith.constant 4 : i32
      %mul3A_69 = arith.muli %add3A_63, %mul3A_68 : i32
      %add3A_70 = arith.constant 0 : i32
      %add3A_71 = arith.addi %mul3A_69, %add3A_70 : i32
      %dma_wait3A_72 = arith.constant 0 : i32
      %dma_wait3A_73 = arith.constant 0 : i32
      %dma_wait3A_74 = tpu.memref_slice %arg6[%dma_wait3A_72, %dma_wait3A_73] : memref<512x64xf32, #tpu.memory_space<vmem>> -> memref<128x64xf32, #tpu.memory_space<vmem>>
      %dma_wait3A_75 = arith.constant 0 : i32
      %dma_wait3A_76 = tpu.memref_slice %arg5[%add3A_71, %dma_wait3A_75] : memref<200x128xi32, #tpu.memory_space<vmem>> -> memref<1x128xi32, #tpu.memory_space<vmem>>
      %dma_wait3A_77 = tpu.memref_squeeze %dma_wait3A_76 : memref<1x128xi32, #tpu.memory_space<vmem>> -> memref<128xi32, #tpu.memory_space<vmem>>
      %dma_wait3A_78 = arith.constant 0 : i32
      %dma_wait3A_79 = arith.constant 0 : i32
      %dma_wait3A_80 = tpu.memref_slice %arg3[%dma_wait3A_78, %dma_wait3A_79] : memref<1000000x64xf32, #tpu.memory_space<hbm>> -> memref<1000000x64xf32, #tpu.memory_space<hbm>>
      tpu.wait_indirect_dma semaphore(%arg8 : memref<!tpu.dma_semaphore, #tpu.memory_space<semaphore_mem>>) src(%dma_wait3A_80 : memref<1000000x64xf32, #tpu.memory_space<hbm>>) dst(%dma_wait3A_74 : memref<128x64xf32, #tpu.memory_space<vmem>>)
      %scan3A_81 = arith.constant 0 : i32
      %scan3A_82 = arith.constant 0 : i32
      %scan3A_83 = arith.constant 128 : i32
      %scan3A_84 = arith.addi %scan3A_82, %scan3A_83 : i32
      %scan3A_85 = arith.constant 2 : i32
      scf.for %scan3A_243 = %scan3A_82 to %scan3A_84 step %scan3A_85  : i32 {
        %get3A = arith.index_cast %scan3A_243 : i32 to index
        %get3A_244 = arith.constant 0 : index
        %get3A_245 = tpu.vector_load %arg6[%get3A, %get3A_244] {strides = array<i32>} : memref<512x64xf32, #tpu.memory_space<vmem>>, vector<1x16xf32>,
        %get3A_246 = vector.shape_cast %get3A_245 : vector<1x16xf32> to vector<16xf32>
        %mul3A_247 = arith.constant 8.000000e+00 : f32
        %mul3A_248 = vector.broadcast %mul3A_247 : f32 to vector<16xf32>
        %mul3A_249 = arith.mulf %get3A_246, %mul3A_248 : vector<16xf32>
        %swap3A = arith.index_cast %scan3A_243 : i32 to index
        %swap3A_250 = arith.constant 0 : index
        %swap3A_251 = tpu.vector_load %arg6[%swap3A, %swap3A_250] {strides = array<i32>} : memref<512x64xf32, #tpu.memory_space<vmem>>, vector<1x16xf32>,
        %swap3A_252 = vector.shape_cast %swap3A_251 : vector<1x16xf32> to vector<16xf32>
        %swap3A_253 = vector.shape_cast %mul3A_249 : vector<16xf32> to vector<1x16xf32>
        tpu.vector_store %arg6[%swap3A, %swap3A_250], %swap3A_253 {strides = array<i32>} : memref<512x64xf32, #tpu.memory_space<vmem>>, vector<1x16xf32>,
        %get3A_254 = arith.index_cast %scan3A_243 : i32 to index
        %get3A_255 = arith.constant 16 : index
        %get3A_256 = tpu.vector_load %arg6[%get3A_254, %get3A_255] {strides = array<i32>} : memref<512x64xf32, #tpu.memory_space<vmem>>, vector<1x16xf32>,
        %get3A_257 = vector.shape_cast %get3A_256 : vector<1x16xf32> to vector<16xf32>
        %mul3A_258 = arith.constant 8.000000e+00 : f32
        %mul3A_259 = vector.broadcast %mul3A_258 : f32 to vector<16xf32>
        %mul3A_260 = arith.mulf %get3A_257, %mul3A_259 : vector<16xf32>
        %swap3A_261 = arith.index_cast %scan3A_243 : i32 to index
        %swap3A_262 = arith.constant 16 : index
        %swap3A_263 = tpu.vector_load %arg6[%swap3A_261, %swap3A_262] {strides = array<i32>} : memref<512x64xf32, #tpu.memory_space<vmem>>, vector<1x16xf32>,
        %swap3A_264 = vector.shape_cast %swap3A_263 : vector<1x16xf32> to vector<16xf32>
        %swap3A_265 = vector.shape_cast %mul3A_260 : vector<16xf32> to vector<1x16xf32>
        tpu.vector_store %arg6[%swap3A_261, %swap3A_262], %swap3A_265 {strides = array<i32>} : memref<512x64xf32, #tpu.memory_space<vmem>>, vector<1x16xf32>,
        %get3A_266 = arith.index_cast %scan3A_243 : i32 to index
        %get3A_267 = arith.constant 32 : index
        %get3A_268 = tpu.vector_load %arg6[%get3A_266, %get3A_267] {strides = array<i32>} : memref<512x64xf32, #tpu.memory_space<vmem>>, vector<1x16xf32>,
        %get3A_269 = vector.shape_cast %get3A_268 : vector<1x16xf32> to vector<16xf32>
        %mul3A_270 = arith.constant 8.000000e+00 : f32
        %mul3A_271 = vector.broadcast %mul3A_270 : f32 to vector<16xf32>
        %mul3A_272 = arith.mulf %get3A_269, %mul3A_271 : vector<16xf32>
        %swap3A_273 = arith.index_cast %scan3A_243 : i32 to index
        %swap3A_274 = arith.constant 32 : index
        %swap3A_275 = tpu.vector_load %arg6[%swap3A_273, %swap3A_274] {strides = array<i32>} : memref<512x64xf32, #tpu.memory_space<vmem>>, vector<1x16xf32>,
        %swap3A_276 = vector.shape_cast %swap3A_275 : vector<1x16xf32> to vector<16xf32>
        %swap3A_277 = vector.shape_cast %mul3A_272 : vector<16xf32> to vector<1x16xf32>
        tpu.vector_store %arg6[%swap3A_273, %swap3A_274], %swap3A_277 {strides = array<i32>} : memref<512x64xf32, #tpu.memory_space<vmem>>, vector<1x16xf32>,
        %get3A_278 = arith.index_cast %scan3A_243 : i32 to index
        %get3A_279 = arith.constant 48 : index
        %get3A_280 = tpu.vector_load %arg6[%get3A_278, %get3A_279] {strides = array<i32>} : memref<512x64xf32, #tpu.memory_space<vmem>>, vector<1x16xf32>,
        %get3A_281 = vector.shape_cast %get3A_280 : vector<1x16xf32> to vector<16xf32>
        %mul3A_282 = arith.constant 8.000000e+00 : f32
        %mul3A_283 = vector.broadcast %mul3A_282 : f32 to vector<16xf32>
        %mul3A_284 = arith.mulf %get3A_281, %mul3A_283 : vector<16xf32>
        %swap3A_285 = arith.index_cast %scan3A_243 : i32 to index
        %swap3A_286 = arith.constant 48 : index
        %swap3A_287 = tpu.vector_load %arg6[%swap3A_285, %swap3A_286] {strides = array<i32>} : memref<512x64xf32, #tpu.memory_space<vmem>>, vector<1x16xf32>,
        %swap3A_288 = vector.shape_cast %swap3A_287 : vector<1x16xf32> to vector<16xf32>
        %swap3A_289 = vector.shape_cast %mul3A_284 : vector<16xf32> to vector<1x16xf32>
        tpu.vector_store %arg6[%swap3A_285, %swap3A_286], %swap3A_289 {strides = array<i32>} : memref<512x64xf32, #tpu.memory_space<vmem>>, vector<1x16xf32>,
        %scan3A_290 = arith.constant 1 : i32
        %scan3A_291 = arith.addi %scan3A_243, %scan3A_290 : i32
        %get3A_292 = arith.index_cast %scan3A_291 : i32 to index
        %get3A_293 = arith.constant 0 : index
        %get3A_294 = tpu.vector_load %arg6[%get3A_292, %get3A_293] {strides = array<i32>} : memref<512x64xf32, #tpu.memory_space<vmem>>, vector<1x16xf32>,
        %get3A_295 = vector.shape_cast %get3A_294 : vector<1x16xf32> to vector<16xf32>
        %mul3A_296 = arith.constant 8.000000e+00 : f32
        %mul3A_297 = vector.broadcast %mul3A_296 : f32 to vector<16xf32>
        %mul3A_298 = arith.mulf %get3A_295, %mul3A_297 : vector<16xf32>
        %swap3A_299 = arith.index_cast %scan3A_291 : i32 to index
        %swap3A_300 = arith.constant 0 : index
        %swap3A_301 = tpu.vector_load %arg6[%swap3A_299, %swap3A_300] {strides = array<i32>} : memref<512x64xf32, #tpu.memory_space<vmem>>, vector<1x16xf32>,
        %swap3A_302 = vector.shape_cast %swap3A_301 : vector<1x16xf32> to vector<16xf32>
        %swap3A_303 = vector.shape_cast %mul3A_298 : vector<16xf32> to vector<1x16xf32>
        tpu.vector_store %arg6[%swap3A_299, %swap3A_300], %swap3A_303 {strides = array<i32>} : memref<512x64xf32, #tpu.memory_space<vmem>>, vector<1x16xf32>,
        %get3A_304 = arith.index_cast %scan3A_291 : i32 to index
        %get3A_305 = arith.constant 16 : index
        %get3A_306 = tpu.vector_load %arg6[%get3A_304, %get3A_305] {strides = array<i32>} : memref<512x64xf32, #tpu.memory_space<vmem>>, vector<1x16xf32>,
        %get3A_307 = vector.shape_cast %get3A_306 : vector<1x16xf32> to vector<16xf32>
        %mul3A_308 = arith.constant 8.000000e+00 : f32
        %mul3A_309 = vector.broadcast %mul3A_308 : f32 to vector<16xf32>
        %mul3A_310 = arith.mulf %get3A_307, %mul3A_309 : vector<16xf32>
        %swap3A_311 = arith.index_cast %scan3A_291 : i32 to index
        %swap3A_312 = arith.constant 16 : index
        %swap3A_313 = tpu.vector_load %arg6[%swap3A_311, %swap3A_312] {strides = array<i32>} : memref<512x64xf32, #tpu.memory_space<vmem>>, vector<1x16xf32>,
        %swap3A_314 = vector.shape_cast %swap3A_313 : vector<1x16xf32> to vector<16xf32>
        %swap3A_315 = vector.shape_cast %mul3A_310 : vector<16xf32> to vector<1x16xf32>
        tpu.vector_store %arg6[%swap3A_311, %swap3A_312], %swap3A_315 {strides = array<i32>} : memref<512x64xf32, #tpu.memory_space<vmem>>, vector<1x16xf32>,
        %get3A_316 = arith.index_cast %scan3A_291 : i32 to index
        %get3A_317 = arith.constant 32 : index
        %get3A_318 = tpu.vector_load %arg6[%get3A_316, %get3A_317] {strides = array<i32>} : memref<512x64xf32, #tpu.memory_space<vmem>>, vector<1x16xf32>,
        %get3A_319 = vector.shape_cast %get3A_318 : vector<1x16xf32> to vector<16xf32>
        %mul3A_320 = arith.constant 8.000000e+00 : f32
        %mul3A_321 = vector.broadcast %mul3A_320 : f32 to vector<16xf32>
        %mul3A_322 = arith.mulf %get3A_319, %mul3A_321 : vector<16xf32>
        %swap3A_323 = arith.index_cast %scan3A_291 : i32 to index
        %swap3A_324 = arith.constant 32 : index
        %swap3A_325 = tpu.vector_load %arg6[%swap3A_323, %swap3A_324] {strides = array<i32>} : memref<512x64xf32, #tpu.memory_space<vmem>>, vector<1x16xf32>,
        %swap3A_326 = vector.shape_cast %swap3A_325 : vector<1x16xf32> to vector<16xf32>
        %swap3A_327 = vector.shape_cast %mul3A_322 : vector<16xf32> to vector<1x16xf32>
        tpu.vector_store %arg6[%swap3A_323, %swap3A_324], %swap3A_327 {strides = array<i32>} : memref<512x64xf32, #tpu.memory_space<vmem>>, vector<1x16xf32>,
        %get3A_328 = arith.index_cast %scan3A_291 : i32 to index
        %get3A_329 = arith.constant 48 : index
        %get3A_330 = tpu.vector_load %arg6[%get3A_328, %get3A_329] {strides = array<i32>} : memref<512x64xf32, #tpu.memory_space<vmem>>, vector<1x16xf32>,
        %get3A_331 = vector.shape_cast %get3A_330 : vector<1x16xf32> to vector<16xf32>
        %mul3A_332 = arith.constant 8.000000e+00 : f32
        %mul3A_333 = vector.broadcast %mul3A_332 : f32 to vector<16xf32>
        %mul3A_334 = arith.mulf %get3A_331, %mul3A_333 : vector<16xf32>
        %swap3A_335 = arith.index_cast %scan3A_291 : i32 to index
        %swap3A_336 = arith.constant 48 : index
        %swap3A_337 = tpu.vector_load %arg6[%swap3A_335, %swap3A_336] {strides = array<i32>} : memref<512x64xf32, #tpu.memory_space<vmem>>, vector<1x16xf32>,
        %swap3A_338 = vector.shape_cast %swap3A_337 : vector<1x16xf32> to vector<16xf32>
        %swap3A_339 = vector.shape_cast %mul3A_334 : vector<16xf32> to vector<1x16xf32>
        tpu.vector_store %arg6[%swap3A_335, %swap3A_336], %swap3A_339 {strides = array<i32>} : memref<512x64xf32, #tpu.memory_space<vmem>>, vector<1x16xf32>,
      }
      %scan3A_86 = arith.constant 128 : i32
      %mul3A_87 = arith.constant 4 : i32
      %mul3A_88 = arith.muli %add3A_63, %mul3A_87 : i32
      %add3A_89 = arith.constant 1 : i32
      %add3A_90 = arith.addi %mul3A_88, %add3A_89 : i32
      %dma_wait3A_91 = arith.constant 128 : i32
      %dma_wait3A_92 = arith.constant 0 : i32
      %dma_wait3A_93 = tpu.memref_slice %arg6[%dma_wait3A_91, %dma_wait3A_92] : memref<512x64xf32, #tpu.memory_space<vmem>> -> memref<128x64xf32, #tpu.memory_space<vmem>>
      %dma_wait3A_94 = arith.constant 0 : i32
      %dma_wait3A_95 = tpu.memref_slice %arg5[%add3A_90, %dma_wait3A_94] : memref<200x128xi32, #tpu.memory_space<vmem>> -> memref<1x128xi32, #tpu.memory_space<vmem>>
      %dma_wait3A_96 = tpu.memref_squeeze %dma_wait3A_95 : memref<1x128xi32, #tpu.memory_space<vmem>> -> memref<128xi32, #tpu.memory_space<vmem>>
      %dma_wait3A_97 = arith.constant 0 : i32
      %dma_wait3A_98 = arith.constant 0 : i32
      %dma_wait3A_99 = tpu.memref_slice %arg3[%dma_wait3A_97, %dma_wait3A_98] : memref<1000000x64xf32, #tpu.memory_space<hbm>> -> memref<1000000x64xf32, #tpu.memory_space<hbm>>
      tpu.wait_indirect_dma semaphore(%arg8 : memref<!tpu.dma_semaphore, #tpu.memory_space<semaphore_mem>>) src(%dma_wait3A_99 : memref<1000000x64xf32, #tpu.memory_space<hbm>>) dst(%dma_wait3A_93 : memref<128x64xf32, #tpu.memory_space<vmem>>)
      %scan3A_100 = arith.constant 0 : i32
      %scan3A_101 = arith.constant 128 : i32
      %scan3A_102 = arith.constant 128 : i32
      %scan3A_103 = arith.addi %scan3A_101, %scan3A_102 : i32
      %scan3A_104 = arith.constant 2 : i32
      scf.for %scan3A_243 = %scan3A_101 to %scan3A_103 step %scan3A_104  : i32 {
        %get3A = arith.index_cast %scan3A_243 : i32 to index
        %get3A_244 = arith.constant 0 : index
        %get3A_245 = tpu.vector_load %arg6[%get3A, %get3A_244] {strides = array<i32>} : memref<512x64xf32, #tpu.memory_space<vmem>>, vector<1x16xf32>,
        %get3A_246 = vector.shape_cast %get3A_245 : vector<1x16xf32> to vector<16xf32>
        %mul3A_247 = arith.constant 8.000000e+00 : f32
        %mul3A_248 = vector.broadcast %mul3A_247 : f32 to vector<16xf32>
        %mul3A_249 = arith.mulf %get3A_246, %mul3A_248 : vector<16xf32>
        %swap3A = arith.index_cast %scan3A_243 : i32 to index
        %swap3A_250 = arith.constant 0 : index
        %swap3A_251 = tpu.vector_load %arg6[%swap3A, %swap3A_250] {strides = array<i32>} : memref<512x64xf32, #tpu.memory_space<vmem>>, vector<1x16xf32>,
        %swap3A_252 = vector.shape_cast %swap3A_251 : vector<1x16xf32> to vector<16xf32>
        %swap3A_253 = vector.shape_cast %mul3A_249 : vector<16xf32> to vector<1x16xf32>
        tpu.vector_store %arg6[%swap3A, %swap3A_250], %swap3A_253 {strides = array<i32>} : memref<512x64xf32, #tpu.memory_space<vmem>>, vector<1x16xf32>,
        %get3A_254 = arith.index_cast %scan3A_243 : i32 to index
        %get3A_255 = arith.constant 16 : index
        %get3A_256 = tpu.vector_load %arg6[%get3A_254, %get3A_255] {strides = array<i32>} : memref<512x64xf32, #tpu.memory_space<vmem>>, vector<1x16xf32>,
        %get3A_257 = vector.shape_cast %get3A_256 : vector<1x16xf32> to vector<16xf32>
        %mul3A_258 = arith.constant 8.000000e+00 : f32
        %mul3A_259 = vector.broadcast %mul3A_258 : f32 to vector<16xf32>
        %mul3A_260 = arith.mulf %get3A_257, %mul3A_259 : vector<16xf32>
        %swap3A_261 = arith.index_cast %scan3A_243 : i32 to index
        %swap3A_262 = arith.constant 16 : index
        %swap3A_263 = tpu.vector_load %arg6[%swap3A_261, %swap3A_262] {strides = array<i32>} : memref<512x64xf32, #tpu.memory_space<vmem>>, vector<1x16xf32>,
        %swap3A_264 = vector.shape_cast %swap3A_263 : vector<1x16xf32> to vector<16xf32>
        %swap3A_265 = vector.shape_cast %mul3A_260 : vector<16xf32> to vector<1x16xf32>
        tpu.vector_store %arg6[%swap3A_261, %swap3A_262], %swap3A_265 {strides = array<i32>} : memref<512x64xf32, #tpu.memory_space<vmem>>, vector<1x16xf32>,
        %get3A_266 = arith.index_cast %scan3A_243 : i32 to index
        %get3A_267 = arith.constant 32 : index
        %get3A_268 = tpu.vector_load %arg6[%get3A_266, %get3A_267] {strides = array<i32>} : memref<512x64xf32, #tpu.memory_space<vmem>>, vector<1x16xf32>,
        %get3A_269 = vector.shape_cast %get3A_268 : vector<1x16xf32> to vector<16xf32>
        %mul3A_270 = arith.constant 8.000000e+00 : f32
        %mul3A_271 = vector.broadcast %mul3A_270 : f32 to vector<16xf32>
        %mul3A_272 = arith.mulf %get3A_269, %mul3A_271 : vector<16xf32>
        %swap3A_273 = arith.index_cast %scan3A_243 : i32 to index
        %swap3A_274 = arith.constant 32 : index
        %swap3A_275 = tpu.vector_load %arg6[%swap3A_273, %swap3A_274] {strides = array<i32>} : memref<512x64xf32, #tpu.memory_space<vmem>>, vector<1x16xf32>,
        %swap3A_276 = vector.shape_cast %swap3A_275 : vector<1x16xf32> to vector<16xf32>
        %swap3A_277 = vector.shape_cast %mul3A_272 : vector<16xf32> to vector<1x16xf32>
        tpu.vector_store %arg6[%swap3A_273, %swap3A_274], %swap3A_277 {strides = array<i32>} : memref<512x64xf32, #tpu.memory_space<vmem>>, vector<1x16xf32>,
        %get3A_278 = arith.index_cast %scan3A_243 : i32 to index
        %get3A_279 = arith.constant 48 : index
        %get3A_280 = tpu.vector_load %arg6[%get3A_278, %get3A_279] {strides = array<i32>} : memref<512x64xf32, #tpu.memory_space<vmem>>, vector<1x16xf32>,
        %get3A_281 = vector.shape_cast %get3A_280 : vector<1x16xf32> to vector<16xf32>
        %mul3A_282 = arith.constant 8.000000e+00 : f32
        %mul3A_283 = vector.broadcast %mul3A_282 : f32 to vector<16xf32>
        %mul3A_284 = arith.mulf %get3A_281, %mul3A_283 : vector<16xf32>
        %swap3A_285 = arith.index_cast %scan3A_243 : i32 to index
        %swap3A_286 = arith.constant 48 : index
        %swap3A_287 = tpu.vector_load %arg6[%swap3A_285, %swap3A_286] {strides = array<i32>} : memref<512x64xf32, #tpu.memory_space<vmem>>, vector<1x16xf32>,
        %swap3A_288 = vector.shape_cast %swap3A_287 : vector<1x16xf32> to vector<16xf32>
        %swap3A_289 = vector.shape_cast %mul3A_284 : vector<16xf32> to vector<1x16xf32>
        tpu.vector_store %arg6[%swap3A_285, %swap3A_286], %swap3A_289 {strides = array<i32>} : memref<512x64xf32, #tpu.memory_space<vmem>>, vector<1x16xf32>,
        %scan3A_290 = arith.constant 1 : i32
        %scan3A_291 = arith.addi %scan3A_243, %scan3A_290 : i32
        %get3A_292 = arith.index_cast %scan3A_291 : i32 to index
        %get3A_293 = arith.constant 0 : index
        %get3A_294 = tpu.vector_load %arg6[%get3A_292, %get3A_293] {strides = array<i32>} : memref<512x64xf32, #tpu.memory_space<vmem>>, vector<1x16xf32>,
        %get3A_295 = vector.shape_cast %get3A_294 : vector<1x16xf32> to vector<16xf32>
        %mul3A_296 = arith.constant 8.000000e+00 : f32
        %mul3A_297 = vector.broadcast %mul3A_296 : f32 to vector<16xf32>
        %mul3A_298 = arith.mulf %get3A_295, %mul3A_297 : vector<16xf32>
        %swap3A_299 = arith.index_cast %scan3A_291 : i32 to index
        %swap3A_300 = arith.constant 0 : index
        %swap3A_301 = tpu.vector_load %arg6[%swap3A_299, %swap3A_300] {strides = array<i32>} : memref<512x64xf32, #tpu.memory_space<vmem>>, vector<1x16xf32>,
        %swap3A_302 = vector.shape_cast %swap3A_301 : vector<1x16xf32> to vector<16xf32>
        %swap3A_303 = vector.shape_cast %mul3A_298 : vector<16xf32> to vector<1x16xf32>
        tpu.vector_store %arg6[%swap3A_299, %swap3A_300], %swap3A_303 {strides = array<i32>} : memref<512x64xf32, #tpu.memory_space<vmem>>, vector<1x16xf32>,
        %get3A_304 = arith.index_cast %scan3A_291 : i32 to index
        %get3A_305 = arith.constant 16 : index
        %get3A_306 = tpu.vector_load %arg6[%get3A_304, %get3A_305] {strides = array<i32>} : memref<512x64xf32, #tpu.memory_space<vmem>>, vector<1x16xf32>,
        %get3A_307 = vector.shape_cast %get3A_306 : vector<1x16xf32> to vector<16xf32>
        %mul3A_308 = arith.constant 8.000000e+00 : f32
        %mul3A_309 = vector.broadcast %mul3A_308 : f32 to vector<16xf32>
        %mul3A_310 = arith.mulf %get3A_307, %mul3A_309 : vector<16xf32>
        %swap3A_311 = arith.index_cast %scan3A_291 : i32 to index
        %swap3A_312 = arith.constant 16 : index
        %swap3A_313 = tpu.vector_load %arg6[%swap3A_311, %swap3A_312] {strides = array<i32>} : memref<512x64xf32, #tpu.memory_space<vmem>>, vector<1x16xf32>,
        %swap3A_314 = vector.shape_cast %swap3A_313 : vector<1x16xf32> to vector<16xf32>
        %swap3A_315 = vector.shape_cast %mul3A_310 : vector<16xf32> to vector<1x16xf32>
        tpu.vector_store %arg6[%swap3A_311, %swap3A_312], %swap3A_315 {strides = array<i32>} : memref<512x64xf32, #tpu.memory_space<vmem>>, vector<1x16xf32>,
        %get3A_316 = arith.index_cast %scan3A_291 : i32 to index
        %get3A_317 = arith.constant 32 : index
        %get3A_318 = tpu.vector_load %arg6[%get3A_316, %get3A_317] {strides = array<i32>} : memref<512x64xf32, #tpu.memory_space<vmem>>, vector<1x16xf32>,
        %get3A_319 = vector.shape_cast %get3A_318 : vector<1x16xf32> to vector<16xf32>
        %mul3A_320 = arith.constant 8.000000e+00 : f32
        %mul3A_321 = vector.broadcast %mul3A_320 : f32 to vector<16xf32>
        %mul3A_322 = arith.mulf %get3A_319, %mul3A_321 : vector<16xf32>
        %swap3A_323 = arith.index_cast %scan3A_291 : i32 to index
        %swap3A_324 = arith.constant 32 : index
        %swap3A_325 = tpu.vector_load %arg6[%swap3A_323, %swap3A_324] {strides = array<i32>} : memref<512x64xf32, #tpu.memory_space<vmem>>, vector<1x16xf32>,
        %swap3A_326 = vector.shape_cast %swap3A_325 : vector<1x16xf32> to vector<16xf32>
        %swap3A_327 = vector.shape_cast %mul3A_322 : vector<16xf32> to vector<1x16xf32>
        tpu.vector_store %arg6[%swap3A_323, %swap3A_324], %swap3A_327 {strides = array<i32>} : memref<512x64xf32, #tpu.memory_space<vmem>>, vector<1x16xf32>,
        %get3A_328 = arith.index_cast %scan3A_291 : i32 to index
        %get3A_329 = arith.constant 48 : index
        %get3A_330 = tpu.vector_load %arg6[%get3A_328, %get3A_329] {strides = array<i32>} : memref<512x64xf32, #tpu.memory_space<vmem>>, vector<1x16xf32>,
        %get3A_331 = vector.shape_cast %get3A_330 : vector<1x16xf32> to vector<16xf32>
        %mul3A_332 = arith.constant 8.000000e+00 : f32
        %mul3A_333 = vector.broadcast %mul3A_332 : f32 to vector<16xf32>
        %mul3A_334 = arith.mulf %get3A_331, %mul3A_333 : vector<16xf32>
        %swap3A_335 = arith.index_cast %scan3A_291 : i32 to index
        %swap3A_336 = arith.constant 48 : index
        %swap3A_337 = tpu.vector_load %arg6[%swap3A_335, %swap3A_336] {strides = array<i32>} : memref<512x64xf32, #tpu.memory_space<vmem>>, vector<1x16xf32>,
        %swap3A_338 = vector.shape_cast %swap3A_337 : vector<1x16xf32> to vector<16xf32>
        %swap3A_339 = vector.shape_cast %mul3A_334 : vector<16xf32> to vector<1x16xf32>
        tpu.vector_store %arg6[%swap3A_335, %swap3A_336], %swap3A_339 {strides = array<i32>} : memref<512x64xf32, #tpu.memory_space<vmem>>, vector<1x16xf32>,
      }
      %scan3A_105 = arith.constant 128 : i32
      %mul3A_106 = arith.constant 4 : i32
      %mul3A_107 = arith.muli %add3A_63, %mul3A_106 : i32
      %add3A_108 = arith.constant 2 : i32
      %add3A_109 = arith.addi %mul3A_107, %add3A_108 : i32
      %dma_wait3A_110 = arith.constant 256 : i32
      %dma_wait3A_111 = arith.constant 0 : i32
      %dma_wait3A_112 = tpu.memref_slice %arg6[%dma_wait3A_110, %dma_wait3A_111] : memref<512x64xf32, #tpu.memory_space<vmem>> -> memref<128x64xf32, #tpu.memory_space<vmem>>
      %dma_wait3A_113 = arith.constant 0 : i32
      %dma_wait3A_114 = tpu.memref_slice %arg5[%add3A_109, %dma_wait3A_113] : memref<200x128xi32, #tpu.memory_space<vmem>> -> memref<1x128xi32, #tpu.memory_space<vmem>>
      %dma_wait3A_115 = tpu.memref_squeeze %dma_wait3A_114 : memref<1x128xi32, #tpu.memory_space<vmem>> -> memref<128xi32, #tpu.memory_space<vmem>>
      %dma_wait3A_116 = arith.constant 0 : i32
      %dma_wait3A_117 = arith.constant 0 : i32
      %dma_wait3A_118 = tpu.memref_slice %arg3[%dma_wait3A_116, %dma_wait3A_117] : memref<1000000x64xf32, #tpu.memory_space<hbm>> -> memref<1000000x64xf32, #tpu.memory_space<hbm>>
      tpu.wait_indirect_dma semaphore(%arg8 : memref<!tpu.dma_semaphore, #tpu.memory_space<semaphore_mem>>) src(%dma_wait3A_118 : memref<1000000x64xf32, #tpu.memory_space<hbm>>) dst(%dma_wait3A_112 : memref<128x64xf32, #tpu.memory_space<vmem>>)
      %scan3A_119 = arith.constant 0 : i32
      %scan3A_120 = arith.constant 256 : i32
      %scan3A_121 = arith.constant 128 : i32
      %scan3A_122 = arith.addi %scan3A_120, %scan3A_121 : i32
      %scan3A_123 = arith.constant 2 : i32
      scf.for %scan3A_243 = %scan3A_120 to %scan3A_122 step %scan3A_123  : i32 {
        %get3A = arith.index_cast %scan3A_243 : i32 to index
        %get3A_244 = arith.constant 0 : index
        %get3A_245 = tpu.vector_load %arg6[%get3A, %get3A_244] {strides = array<i32>} : memref<512x64xf32, #tpu.memory_space<vmem>>, vector<1x16xf32>,
        %get3A_246 = vector.shape_cast %get3A_245 : vector<1x16xf32> to vector<16xf32>
        %mul3A_247 = arith.constant 8.000000e+00 : f32
        %mul3A_248 = vector.broadcast %mul3A_247 : f32 to vector<16xf32>
        %mul3A_249 = arith.mulf %get3A_246, %mul3A_248 : vector<16xf32>
        %swap3A = arith.index_cast %scan3A_243 : i32 to index
        %swap3A_250 = arith.constant 0 : index
        %swap3A_251 = tpu.vector_load %arg6[%swap3A, %swap3A_250] {strides = array<i32>} : memref<512x64xf32, #tpu.memory_space<vmem>>, vector<1x16xf32>,
        %swap3A_252 = vector.shape_cast %swap3A_251 : vector<1x16xf32> to vector<16xf32>
        %swap3A_253 = vector.shape_cast %mul3A_249 : vector<16xf32> to vector<1x16xf32>
        tpu.vector_store %arg6[%swap3A, %swap3A_250], %swap3A_253 {strides = array<i32>} : memref<512x64xf32, #tpu.memory_space<vmem>>, vector<1x16xf32>,
        %get3A_254 = arith.index_cast %scan3A_243 : i32 to index
        %get3A_255 = arith.constant 16 : index
        %get3A_256 = tpu.vector_load %arg6[%get3A_254, %get3A_255] {strides = array<i32>} : memref<512x64xf32, #tpu.memory_space<vmem>>, vector<1x16xf32>,
        %get3A_257 = vector.shape_cast %get3A_256 : vector<1x16xf32> to vector<16xf32>
        %mul3A_258 = arith.constant 8.000000e+00 : f32
        %mul3A_259 = vector.broadcast %mul3A_258 : f32 to vector<16xf32>
        %mul3A_260 = arith.mulf %get3A_257, %mul3A_259 : vector<16xf32>
        %swap3A_261 = arith.index_cast %scan3A_243 : i32 to index
        %swap3A_262 = arith.constant 16 : index
        %swap3A_263 = tpu.vector_load %arg6[%swap3A_261, %swap3A_262] {strides = array<i32>} : memref<512x64xf32, #tpu.memory_space<vmem>>, vector<1x16xf32>,
        %swap3A_264 = vector.shape_cast %swap3A_263 : vector<1x16xf32> to vector<16xf32>
        %swap3A_265 = vector.shape_cast %mul3A_260 : vector<16xf32> to vector<1x16xf32>
        tpu.vector_store %arg6[%swap3A_261, %swap3A_262], %swap3A_265 {strides = array<i32>} : memref<512x64xf32, #tpu.memory_space<vmem>>, vector<1x16xf32>,
        %get3A_266 = arith.index_cast %scan3A_243 : i32 to index
        %get3A_267 = arith.constant 32 : index
        %get3A_268 = tpu.vector_load %arg6[%get3A_266, %get3A_267] {strides = array<i32>} : memref<512x64xf32, #tpu.memory_space<vmem>>, vector<1x16xf32>,
        %get3A_269 = vector.shape_cast %get3A_268 : vector<1x16xf32> to vector<16xf32>
        %mul3A_270 = arith.constant 8.000000e+00 : f32
        %mul3A_271 = vector.broadcast %mul3A_270 : f32 to vector<16xf32>
        %mul3A_272 = arith.mulf %get3A_269, %mul3A_271 : vector<16xf32>
        %swap3A_273 = arith.index_cast %scan3A_243 : i32 to index
        %swap3A_274 = arith.constant 32 : index
        %swap3A_275 = tpu.vector_load %arg6[%swap3A_273, %swap3A_274] {strides = array<i32>} : memref<512x64xf32, #tpu.memory_space<vmem>>, vector<1x16xf32>,
        %swap3A_276 = vector.shape_cast %swap3A_275 : vector<1x16xf32> to vector<16xf32>
        %swap3A_277 = vector.shape_cast %mul3A_272 : vector<16xf32> to vector<1x16xf32>
        tpu.vector_store %arg6[%swap3A_273, %swap3A_274], %swap3A_277 {strides = array<i32>} : memref<512x64xf32, #tpu.memory_space<vmem>>, vector<1x16xf32>,
        %get3A_278 = arith.index_cast %scan3A_243 : i32 to index
        %get3A_279 = arith.constant 48 : index
        %get3A_280 = tpu.vector_load %arg6[%get3A_278, %get3A_279] {strides = array<i32>} : memref<512x64xf32, #tpu.memory_space<vmem>>, vector<1x16xf32>,
        %get3A_281 = vector.shape_cast %get3A_280 : vector<1x16xf32> to vector<16xf32>
        %mul3A_282 = arith.constant 8.000000e+00 : f32
        %mul3A_283 = vector.broadcast %mul3A_282 : f32 to vector<16xf32>
        %mul3A_284 = arith.mulf %get3A_281, %mul3A_283 : vector<16xf32>
        %swap3A_285 = arith.index_cast %scan3A_243 : i32 to index
        %swap3A_286 = arith.constant 48 : index
        %swap3A_287 = tpu.vector_load %arg6[%swap3A_285, %swap3A_286] {strides = array<i32>} : memref<512x64xf32, #tpu.memory_space<vmem>>, vector<1x16xf32>,
        %swap3A_288 = vector.shape_cast %swap3A_287 : vector<1x16xf32> to vector<16xf32>
        %swap3A_289 = vector.shape_cast %mul3A_284 : vector<16xf32> to vector<1x16xf32>
        tpu.vector_store %arg6[%swap3A_285, %swap3A_286], %swap3A_289 {strides = array<i32>} : memref<512x64xf32, #tpu.memory_space<vmem>>, vector<1x16xf32>,
        %scan3A_290 = arith.constant 1 : i32
        %scan3A_291 = arith.addi %scan3A_243, %scan3A_290 : i32
        %get3A_292 = arith.index_cast %scan3A_291 : i32 to index
        %get3A_293 = arith.constant 0 : index
        %get3A_294 = tpu.vector_load %arg6[%get3A_292, %get3A_293] {strides = array<i32>} : memref<512x64xf32, #tpu.memory_space<vmem>>, vector<1x16xf32>,
        %get3A_295 = vector.shape_cast %get3A_294 : vector<1x16xf32> to vector<16xf32>
        %mul3A_296 = arith.constant 8.000000e+00 : f32
        %mul3A_297 = vector.broadcast %mul3A_296 : f32 to vector<16xf32>
        %mul3A_298 = arith.mulf %get3A_295, %mul3A_297 : vector<16xf32>
        %swap3A_299 = arith.index_cast %scan3A_291 : i32 to index
        %swap3A_300 = arith.constant 0 : index
        %swap3A_301 = tpu.vector_load %arg6[%swap3A_299, %swap3A_300] {strides = array<i32>} : memref<512x64xf32, #tpu.memory_space<vmem>>, vector<1x16xf32>,
        %swap3A_302 = vector.shape_cast %swap3A_301 : vector<1x16xf32> to vector<16xf32>
        %swap3A_303 = vector.shape_cast %mul3A_298 : vector<16xf32> to vector<1x16xf32>
        tpu.vector_store %arg6[%swap3A_299, %swap3A_300], %swap3A_303 {strides = array<i32>} : memref<512x64xf32, #tpu.memory_space<vmem>>, vector<1x16xf32>,
        %get3A_304 = arith.index_cast %scan3A_291 : i32 to index
        %get3A_305 = arith.constant 16 : index
        %get3A_306 = tpu.vector_load %arg6[%get3A_304, %get3A_305] {strides = array<i32>} : memref<512x64xf32, #tpu.memory_space<vmem>>, vector<1x16xf32>,
        %get3A_307 = vector.shape_cast %get3A_306 : vector<1x16xf32> to vector<16xf32>
        %mul3A_308 = arith.constant 8.000000e+00 : f32
        %mul3A_309 = vector.broadcast %mul3A_308 : f32 to vector<16xf32>
        %mul3A_310 = arith.mulf %get3A_307, %mul3A_309 : vector<16xf32>
        %swap3A_311 = arith.index_cast %scan3A_291 : i32 to index
        %swap3A_312 = arith.constant 16 : index
        %swap3A_313 = tpu.vector_load %arg6[%swap3A_311, %swap3A_312] {strides = array<i32>} : memref<512x64xf32, #tpu.memory_space<vmem>>, vector<1x16xf32>,
        %swap3A_314 = vector.shape_cast %swap3A_313 : vector<1x16xf32> to vector<16xf32>
        %swap3A_315 = vector.shape_cast %mul3A_310 : vector<16xf32> to vector<1x16xf32>
        tpu.vector_store %arg6[%swap3A_311, %swap3A_312], %swap3A_315 {strides = array<i32>} : memref<512x64xf32, #tpu.memory_space<vmem>>, vector<1x16xf32>,
        %get3A_316 = arith.index_cast %scan3A_291 : i32 to index
        %get3A_317 = arith.constant 32 : index
        %get3A_318 = tpu.vector_load %arg6[%get3A_316, %get3A_317] {strides = array<i32>} : memref<512x64xf32, #tpu.memory_space<vmem>>, vector<1x16xf32>,
        %get3A_319 = vector.shape_cast %get3A_318 : vector<1x16xf32> to vector<16xf32>
        %mul3A_320 = arith.constant 8.000000e+00 : f32
        %mul3A_321 = vector.broadcast %mul3A_320 : f32 to vector<16xf32>
        %mul3A_322 = arith.mulf %get3A_319, %mul3A_321 : vector<16xf32>
        %swap3A_323 = arith.index_cast %scan3A_291 : i32 to index
        %swap3A_324 = arith.constant 32 : index
        %swap3A_325 = tpu.vector_load %arg6[%swap3A_323, %swap3A_324] {strides = array<i32>} : memref<512x64xf32, #tpu.memory_space<vmem>>, vector<1x16xf32>,
        %swap3A_326 = vector.shape_cast %swap3A_325 : vector<1x16xf32> to vector<16xf32>
        %swap3A_327 = vector.shape_cast %mul3A_322 : vector<16xf32> to vector<1x16xf32>
        tpu.vector_store %arg6[%swap3A_323, %swap3A_324], %swap3A_327 {strides = array<i32>} : memref<512x64xf32, #tpu.memory_space<vmem>>, vector<1x16xf32>,
        %get3A_328 = arith.index_cast %scan3A_291 : i32 to index
        %get3A_329 = arith.constant 48 : index
        %get3A_330 = tpu.vector_load %arg6[%get3A_328, %get3A_329] {strides = array<i32>} : memref<512x64xf32, #tpu.memory_space<vmem>>, vector<1x16xf32>,
        %get3A_331 = vector.shape_cast %get3A_330 : vector<1x16xf32> to vector<16xf32>
        %mul3A_332 = arith.constant 8.000000e+00 : f32
        %mul3A_333 = vector.broadcast %mul3A_332 : f32 to vector<16xf32>
        %mul3A_334 = arith.mulf %get3A_331, %mul3A_333 : vector<16xf32>
        %swap3A_335 = arith.index_cast %scan3A_291 : i32 to index
        %swap3A_336 = arith.constant 48 : index
        %swap3A_337 = tpu.vector_load %arg6[%swap3A_335, %swap3A_336] {strides = array<i32>} : memref<512x64xf32, #tpu.memory_space<vmem>>, vector<1x16xf32>,
        %swap3A_338 = vector.shape_cast %swap3A_337 : vector<1x16xf32> to vector<16xf32>
        %swap3A_339 = vector.shape_cast %mul3A_334 : vector<16xf32> to vector<1x16xf32>
        tpu.vector_store %arg6[%swap3A_335, %swap3A_336], %swap3A_339 {strides = array<i32>} : memref<512x64xf32, #tpu.memory_space<vmem>>, vector<1x16xf32>,
      }
      %scan3A_124 = arith.constant 128 : i32
      %mul3A_125 = arith.constant 4 : i32
      %mul3A_126 = arith.muli %add3A_63, %mul3A_125 : i32
      %add3A_127 = arith.constant 3 : i32
      %add3A_128 = arith.addi %mul3A_126, %add3A_127 : i32
      %dma_wait3A_129 = arith.constant 384 : i32
      %dma_wait3A_130 = arith.constant 0 : i32
      %dma_wait3A_131 = tpu.memref_slice %arg6[%dma_wait3A_129, %dma_wait3A_130] : memref<512x64xf32, #tpu.memory_space<vmem>> -> memref<128x64xf32, #tpu.memory_space<vmem>>
      %dma_wait3A_132 = arith.constant 0 : i32
      %dma_wait3A_133 = tpu.memref_slice %arg5[%add3A_128, %dma_wait3A_132] : memref<200x128xi32, #tpu.memory_space<vmem>> -> memref<1x128xi32, #tpu.memory_space<vmem>>
      %dma_wait3A_134 = tpu.memref_squeeze %dma_wait3A_133 : memref<1x128xi32, #tpu.memory_space<vmem>> -> memref<128xi32, #tpu.memory_space<vmem>>
      %dma_wait3A_135 = arith.constant 0 : i32
      %dma_wait3A_136 = arith.constant 0 : i32
      %dma_wait3A_137 = tpu.memref_slice %arg3[%dma_wait3A_135, %dma_wait3A_136] : memref<1000000x64xf32, #tpu.memory_space<hbm>> -> memref<1000000x64xf32, #tpu.memory_space<hbm>>
      tpu.wait_indirect_dma semaphore(%arg8 : memref<!tpu.dma_semaphore, #tpu.memory_space<semaphore_mem>>) src(%dma_wait3A_137 : memref<1000000x64xf32, #tpu.memory_space<hbm>>) dst(%dma_wait3A_131 : memref<128x64xf32, #tpu.memory_space<vmem>>)
      %scan3A_138 = arith.constant 0 : i32
      %scan3A_139 = arith.constant 384 : i32
      %scan3A_140 = arith.constant 128 : i32
      %scan3A_141 = arith.addi %scan3A_139, %scan3A_140 : i32
      %scan3A_142 = arith.constant 2 : i32
      scf.for %scan3A_243 = %scan3A_139 to %scan3A_141 step %scan3A_142  : i32 {
        %get3A = arith.index_cast %scan3A_243 : i32 to index
        %get3A_244 = arith.constant 0 : index
        %get3A_245 = tpu.vector_load %arg6[%get3A, %get3A_244] {strides = array<i32>} : memref<512x64xf32, #tpu.memory_space<vmem>>, vector<1x16xf32>,
        %get3A_246 = vector.shape_cast %get3A_245 : vector<1x16xf32> to vector<16xf32>
        %mul3A_247 = arith.constant 8.000000e+00 : f32
        %mul3A_248 = vector.broadcast %mul3A_247 : f32 to vector<16xf32>
        %mul3A_249 = arith.mulf %get3A_246, %mul3A_248 : vector<16xf32>
        %swap3A = arith.index_cast %scan3A_243 : i32 to index
        %swap3A_250 = arith.constant 0 : index
        %swap3A_251 = tpu.vector_load %arg6[%swap3A, %swap3A_250] {strides = array<i32>} : memref<512x64xf32, #tpu.memory_space<vmem>>, vector<1x16xf32>,
        %swap3A_252 = vector.shape_cast %swap3A_251 : vector<1x16xf32> to vector<16xf32>
        %swap3A_253 = vector.shape_cast %mul3A_249 : vector<16xf32> to vector<1x16xf32>
        tpu.vector_store %arg6[%swap3A, %swap3A_250], %swap3A_253 {strides = array<i32>} : memref<512x64xf32, #tpu.memory_space<vmem>>, vector<1x16xf32>,
        %get3A_254 = arith.index_cast %scan3A_243 : i32 to index
        %get3A_255 = arith.constant 16 : index
        %get3A_256 = tpu.vector_load %arg6[%get3A_254, %get3A_255] {strides = array<i32>} : memref<512x64xf32, #tpu.memory_space<vmem>>, vector<1x16xf32>,
        %get3A_257 = vector.shape_cast %get3A_256 : vector<1x16xf32> to vector<16xf32>
        %mul3A_258 = arith.constant 8.000000e+00 : f32
        %mul3A_259 = vector.broadcast %mul3A_258 : f32 to vector<16xf32>
        %mul3A_260 = arith.mulf %get3A_257, %mul3A_259 : vector<16xf32>
        %swap3A_261 = arith.index_cast %scan3A_243 : i32 to index
        %swap3A_262 = arith.constant 16 : index
        %swap3A_263 = tpu.vector_load %arg6[%swap3A_261, %swap3A_262] {strides = array<i32>} : memref<512x64xf32, #tpu.memory_space<vmem>>, vector<1x16xf32>,
        %swap3A_264 = vector.shape_cast %swap3A_263 : vector<1x16xf32> to vector<16xf32>
        %swap3A_265 = vector.shape_cast %mul3A_260 : vector<16xf32> to vector<1x16xf32>
        tpu.vector_store %arg6[%swap3A_261, %swap3A_262], %swap3A_265 {strides = array<i32>} : memref<512x64xf32, #tpu.memory_space<vmem>>, vector<1x16xf32>,
        %get3A_266 = arith.index_cast %scan3A_243 : i32 to index
        %get3A_267 = arith.constant 32 : index
        %get3A_268 = tpu.vector_load %arg6[%get3A_266, %get3A_267] {strides = array<i32>} : memref<512x64xf32, #tpu.memory_space<vmem>>, vector<1x16xf32>,
        %get3A_269 = vector.shape_cast %get3A_268 : vector<1x16xf32> to vector<16xf32>
        %mul3A_270 = arith.constant 8.000000e+00 : f32
        %mul3A_271 = vector.broadcast %mul3A_270 : f32 to vector<16xf32>
        %mul3A_272 = arith.mulf %get3A_269, %mul3A_271 : vector<16xf32>
        %swap3A_273 = arith.index_cast %scan3A_243 : i32 to index
        %swap3A_274 = arith.constant 32 : index
        %swap3A_275 = tpu.vector_load %arg6[%swap3A_273, %swap3A_274] {strides = array<i32>} : memref<512x64xf32, #tpu.memory_space<vmem>>, vector<1x16xf32>,
        %swap3A_276 = vector.shape_cast %swap3A_275 : vector<1x16xf32> to vector<16xf32>
        %swap3A_277 = vector.shape_cast %mul3A_272 : vector<16xf32> to vector<1x16xf32>
        tpu.vector_store %arg6[%swap3A_273, %swap3A_274], %swap3A_277 {strides = array<i32>} : memref<512x64xf32, #tpu.memory_space<vmem>>, vector<1x16xf32>,
        %get3A_278 = arith.index_cast %scan3A_243 : i32 to index
        %get3A_279 = arith.constant 48 : index
        %get3A_280 = tpu.vector_load %arg6[%get3A_278, %get3A_279] {strides = array<i32>} : memref<512x64xf32, #tpu.memory_space<vmem>>, vector<1x16xf32>,
        %get3A_281 = vector.shape_cast %get3A_280 : vector<1x16xf32> to vector<16xf32>
        %mul3A_282 = arith.constant 8.000000e+00 : f32
        %mul3A_283 = vector.broadcast %mul3A_282 : f32 to vector<16xf32>
        %mul3A_284 = arith.mulf %get3A_281, %mul3A_283 : vector<16xf32>
        %swap3A_285 = arith.index_cast %scan3A_243 : i32 to index
        %swap3A_286 = arith.constant 48 : index
        %swap3A_287 = tpu.vector_load %arg6[%swap3A_285, %swap3A_286] {strides = array<i32>} : memref<512x64xf32, #tpu.memory_space<vmem>>, vector<1x16xf32>,
        %swap3A_288 = vector.shape_cast %swap3A_287 : vector<1x16xf32> to vector<16xf32>
        %swap3A_289 = vector.shape_cast %mul3A_284 : vector<16xf32> to vector<1x16xf32>
        tpu.vector_store %arg6[%swap3A_285, %swap3A_286], %swap3A_289 {strides = array<i32>} : memref<512x64xf32, #tpu.memory_space<vmem>>, vector<1x16xf32>,
        %scan3A_290 = arith.constant 1 : i32
        %scan3A_291 = arith.addi %scan3A_243, %scan3A_290 : i32
        %get3A_292 = arith.index_cast %scan3A_291 : i32 to index
        %get3A_293 = arith.constant 0 : index
        %get3A_294 = tpu.vector_load %arg6[%get3A_292, %get3A_293] {strides = array<i32>} : memref<512x64xf32, #tpu.memory_space<vmem>>, vector<1x16xf32>,
        %get3A_295 = vector.shape_cast %get3A_294 : vector<1x16xf32> to vector<16xf32>
        %mul3A_296 = arith.constant 8.000000e+00 : f32
        %mul3A_297 = vector.broadcast %mul3A_296 : f32 to vector<16xf32>
        %mul3A_298 = arith.mulf %get3A_295, %mul3A_297 : vector<16xf32>
        %swap3A_299 = arith.index_cast %scan3A_291 : i32 to index
        %swap3A_300 = arith.constant 0 : index
        %swap3A_301 = tpu.vector_load %arg6[%swap3A_299, %swap3A_300] {strides = array<i32>} : memref<512x64xf32, #tpu.memory_space<vmem>>, vector<1x16xf32>,
        %swap3A_302 = vector.shape_cast %swap3A_301 : vector<1x16xf32> to vector<16xf32>
        %swap3A_303 = vector.shape_cast %mul3A_298 : vector<16xf32> to vector<1x16xf32>
        tpu.vector_store %arg6[%swap3A_299, %swap3A_300], %swap3A_303 {strides = array<i32>} : memref<512x64xf32, #tpu.memory_space<vmem>>, vector<1x16xf32>,
        %get3A_304 = arith.index_cast %scan3A_291 : i32 to index
        %get3A_305 = arith.constant 16 : index
        %get3A_306 = tpu.vector_load %arg6[%get3A_304, %get3A_305] {strides = array<i32>} : memref<512x64xf32, #tpu.memory_space<vmem>>, vector<1x16xf32>,
        %get3A_307 = vector.shape_cast %get3A_306 : vector<1x16xf32> to vector<16xf32>
        %mul3A_308 = arith.constant 8.000000e+00 : f32
        %mul3A_309 = vector.broadcast %mul3A_308 : f32 to vector<16xf32>
        %mul3A_310 = arith.mulf %get3A_307, %mul3A_309 : vector<16xf32>
        %swap3A_311 = arith.index_cast %scan3A_291 : i32 to index
        %swap3A_312 = arith.constant 16 : index
        %swap3A_313 = tpu.vector_load %arg6[%swap3A_311, %swap3A_312] {strides = array<i32>} : memref<512x64xf32, #tpu.memory_space<vmem>>, vector<1x16xf32>,
        %swap3A_314 = vector.shape_cast %swap3A_313 : vector<1x16xf32> to vector<16xf32>
        %swap3A_315 = vector.shape_cast %mul3A_310 : vector<16xf32> to vector<1x16xf32>
        tpu.vector_store %arg6[%swap3A_311, %swap3A_312], %swap3A_315 {strides = array<i32>} : memref<512x64xf32, #tpu.memory_space<vmem>>, vector<1x16xf32>,
        %get3A_316 = arith.index_cast %scan3A_291 : i32 to index
        %get3A_317 = arith.constant 32 : index
        %get3A_318 = tpu.vector_load %arg6[%get3A_316, %get3A_317] {strides = array<i32>} : memref<512x64xf32, #tpu.memory_space<vmem>>, vector<1x16xf32>,
        %get3A_319 = vector.shape_cast %get3A_318 : vector<1x16xf32> to vector<16xf32>
        %mul3A_320 = arith.constant 8.000000e+00 : f32
        %mul3A_321 = vector.broadcast %mul3A_320 : f32 to vector<16xf32>
        %mul3A_322 = arith.mulf %get3A_319, %mul3A_321 : vector<16xf32>
        %swap3A_323 = arith.index_cast %scan3A_291 : i32 to index
        %swap3A_324 = arith.constant 32 : index
        %swap3A_325 = tpu.vector_load %arg6[%swap3A_323, %swap3A_324] {strides = array<i32>} : memref<512x64xf32, #tpu.memory_space<vmem>>, vector<1x16xf32>,
        %swap3A_326 = vector.shape_cast %swap3A_325 : vector<1x16xf32> to vector<16xf32>
        %swap3A_327 = vector.shape_cast %mul3A_322 : vector<16xf32> to vector<1x16xf32>
        tpu.vector_store %arg6[%swap3A_323, %swap3A_324], %swap3A_327 {strides = array<i32>} : memref<512x64xf32, #tpu.memory_space<vmem>>, vector<1x16xf32>,
        %get3A_328 = arith.index_cast %scan3A_291 : i32 to index
        %get3A_329 = arith.constant 48 : index
        %get3A_330 = tpu.vector_load %arg6[%get3A_328, %get3A_329] {strides = array<i32>} : memref<512x64xf32, #tpu.memory_space<vmem>>, vector<1x16xf32>,
        %get3A_331 = vector.shape_cast %get3A_330 : vector<1x16xf32> to vector<16xf32>
        %mul3A_332 = arith.constant 8.000000e+00 : f32
        %mul3A_333 = vector.broadcast %mul3A_332 : f32 to vector<16xf32>
        %mul3A_334 = arith.mulf %get3A_331, %mul3A_333 : vector<16xf32>
        %swap3A_335 = arith.index_cast %scan3A_291 : i32 to index
        %swap3A_336 = arith.constant 48 : index
        %swap3A_337 = tpu.vector_load %arg6[%swap3A_335, %swap3A_336] {strides = array<i32>} : memref<512x64xf32, #tpu.memory_space<vmem>>, vector<1x16xf32>,
        %swap3A_338 = vector.shape_cast %swap3A_337 : vector<1x16xf32> to vector<16xf32>
        %swap3A_339 = vector.shape_cast %mul3A_334 : vector<16xf32> to vector<1x16xf32>
        tpu.vector_store %arg6[%swap3A_335, %swap3A_336], %swap3A_339 {strides = array<i32>} : memref<512x64xf32, #tpu.memory_space<vmem>>, vector<1x16xf32>,
      }
      %scan3A_143 = arith.constant 128 : i32
      %mul3A_144 = arith.constant 512 : i32
      %mul3A_145 = arith.muli %add3A_63, %mul3A_144 : i32
      %add3A_146 = arith.addi %mul3A_2, %mul3A_145 : i32
      %dma_start3A_147 = arith.constant 0 : i32
      %dma_start3A_148 = tpu.memref_slice %arg4[%add3A_146, %dma_start3A_147] : memref<819200x64xf32, #tpu.memory_space<hbm>> -> memref<512x64xf32, #tpu.memory_space<hbm>>
      %dma_start3A_149 = arith.constant 0 : i32
      %dma_start3A_150 = tpu.memref_slice %arg4[%add3A_146, %dma_start3A_149] : memref<819200x64xf32, #tpu.memory_space<hbm>> -> memref<512x64xf32, #tpu.memory_space<hbm>>
      tpu.enqueue_dma source(%arg6 : memref<512x64xf32, #tpu.memory_space<vmem>>) target(%dma_start3A_150 : memref<512x64xf32, #tpu.memory_space<hbm>>) target_semaphore(%arg10 : memref<!tpu.dma_semaphore, #tpu.memory_space<semaphore_mem>>)
      %add3A_151 = arith.constant 1 : i32
      %add3A_152 = arith.addi %add3A_61, %add3A_151 : i32
      %add3A_153 = arith.constant 1 : i32
      %add3A_154 = arith.addi %add3A_152, %add3A_153 : i32
      %lt3A_155 = arith.constant 50 : i32
      %lt3A_156 = arith.cmpi slt, %add3A_154, %lt3A_155 : i32
      %convert_element_type3A_157 = arith.extui %lt3A_156 : i1 to i32
      %cond3A_158 = arith.constant 0 : i32
      %cond3A_159 = arith.cmpi ne, %convert_element_type3A_157, %cond3A_158 : i32
      scf.if %cond3A_159 {
        %add3A_243 = arith.constant 1 : i32
        %add3A_244 = arith.addi %add3A_152, %add3A_243 : i32
        %ge3A = arith.constant 2 : i32
        %ge3A_245 = arith.cmpi sge, %add3A_244, %ge3A : i32
        %convert_element_type3A_246 = arith.extui %ge3A_245 : i1 to i32
        %cond3A_247 = arith.constant 0 : i32
        %cond3A_248 = arith.cmpi ne, %convert_element_type3A_246, %cond3A_247 : i32
        scf.if %cond3A_248 {
          %add3A_309 = arith.constant 1 : i32
          %add3A_310 = arith.addi %add3A_152, %add3A_309 : i32
          %sub3A = arith.constant 2 : i32
          %sub3A_311 = arith.subi %add3A_310, %sub3A : i32
          %mul3A_312 = arith.constant 512 : i32
          %mul3A_313 = arith.muli %sub3A_311, %mul3A_312 : i32
          %add3A_314 = arith.addi %mul3A_2, %mul3A_313 : i32
          %dma_wait3A_315 = arith.constant 0 : i32
          %dma_wait3A_316 = tpu.memref_slice %arg4[%add3A_314, %dma_wait3A_315] : memref<819200x64xf32, #tpu.memory_space<hbm>> -> memref<512x64xf32, #tpu.memory_space<hbm>>
          %dma_wait3A_317 = arith.constant 0 : i32
          %dma_wait3A_318 = tpu.memref_slice %arg4[%add3A_314, %dma_wait3A_317] : memref<819200x64xf32, #tpu.memory_space<hbm>> -> memref<512x64xf32, #tpu.memory_space<hbm>>
          tpu.wait_dma2 semaphore(%arg10 : memref<!tpu.dma_semaphore, #tpu.memory_space<semaphore_mem>>) src(%arg6 : memref<512x64xf32, #tpu.memory_space<vmem>>) dst(%dma_wait3A_318 : memref<512x64xf32, #tpu.memory_space<hbm>>)
        } else {
        }
        %add3A_249 = arith.constant 1 : i32
        %add3A_250 = arith.addi %add3A_152, %add3A_249 : i32
        %mul3A_251 = arith.constant 4 : i32
        %mul3A_252 = arith.muli %add3A_250, %mul3A_251 : i32
        %add3A_253 = arith.constant 0 : i32
        %add3A_254 = arith.addi %mul3A_252, %add3A_253 : i32
        %dma_start3A_255 = arith.constant 0 : i32
        %dma_start3A_256 = arith.constant 0 : i32
        %dma_start3A_257 = tpu.memref_slice %arg6[%dma_start3A_255, %dma_start3A_256] : memref<512x64xf32, #tpu.memory_space<vmem>> -> memref<128x64xf32, #tpu.memory_space<vmem>>
        %dma_start3A_258 = arith.constant 0 : i32
        %dma_start3A_259 = tpu.memref_slice %arg5[%add3A_254, %dma_start3A_258] : memref<200x128xi32, #tpu.memory_space<vmem>> -> memref<1x128xi32, #tpu.memory_space<vmem>>
        %dma_start3A_260 = tpu.memref_squeeze %dma_start3A_259 : memref<1x128xi32, #tpu.memory_space<vmem>> -> memref<128xi32, #tpu.memory_space<vmem>>
        %dma_start3A_261 = arith.constant 0 : i32
        %dma_start3A_262 = arith.constant 0 : i32
        %dma_start3A_263 = tpu.memref_slice %arg3[%dma_start3A_261, %dma_start3A_262] : memref<1000000x64xf32, #tpu.memory_space<hbm>> -> memref<1000000x64xf32, #tpu.memory_space<hbm>>
        tpu.enqueue_indirect_dma source(%dma_start3A_263 : memref<1000000x64xf32, #tpu.memory_space<hbm>>) target(%dma_start3A_257 : memref<128x64xf32, #tpu.memory_space<vmem>>) offsets(%dma_start3A_260 : memref<128xi32, #tpu.memory_space<vmem>>) semaphore(%arg8 : memref<!tpu.dma_semaphore, #tpu.memory_space<semaphore_mem>>)
        %add3A_264 = arith.constant 1 : i32
        %add3A_265 = arith.addi %add3A_152, %add3A_264 : i32
        %mul3A_266 = arith.constant 4 : i32
        %mul3A_267 = arith.muli %add3A_265, %mul3A_266 : i32
        %add3A_268 = arith.constant 1 : i32
        %add3A_269 = arith.addi %mul3A_267, %add3A_268 : i32
        %dma_start3A_270 = arith.constant 128 : i32
        %dma_start3A_271 = arith.constant 0 : i32
        %dma_start3A_272 = tpu.memref_slice %arg6[%dma_start3A_270, %dma_start3A_271] : memref<512x64xf32, #tpu.memory_space<vmem>> -> memref<128x64xf32, #tpu.memory_space<vmem>>
        %dma_start3A_273 = arith.constant 0 : i32
        %dma_start3A_274 = tpu.memref_slice %arg5[%add3A_269, %dma_start3A_273] : memref<200x128xi32, #tpu.memory_space<vmem>> -> memref<1x128xi32, #tpu.memory_space<vmem>>
        %dma_start3A_275 = tpu.memref_squeeze %dma_start3A_274 : memref<1x128xi32, #tpu.memory_space<vmem>> -> memref<128xi32, #tpu.memory_space<vmem>>
        %dma_start3A_276 = arith.constant 0 : i32
        %dma_start3A_277 = arith.constant 0 : i32
        %dma_start3A_278 = tpu.memref_slice %arg3[%dma_start3A_276, %dma_start3A_277] : memref<1000000x64xf32, #tpu.memory_space<hbm>> -> memref<1000000x64xf32, #tpu.memory_space<hbm>>
        tpu.enqueue_indirect_dma source(%dma_start3A_278 : memref<1000000x64xf32, #tpu.memory_space<hbm>>) target(%dma_start3A_272 : memref<128x64xf32, #tpu.memory_space<vmem>>) offsets(%dma_start3A_275 : memref<128xi32, #tpu.memory_space<vmem>>) semaphore(%arg8 : memref<!tpu.dma_semaphore, #tpu.memory_space<semaphore_mem>>)
        %add3A_279 = arith.constant 1 : i32
        %add3A_280 = arith.addi %add3A_152, %add3A_279 : i32
        %mul3A_281 = arith.constant 4 : i32
        %mul3A_282 = arith.muli %add3A_280, %mul3A_281 : i32
        %add3A_283 = arith.constant 2 : i32
        %add3A_284 = arith.addi %mul3A_282, %add3A_283 : i32
        %dma_start3A_285 = arith.constant 256 : i32
        %dma_start3A_286 = arith.constant 0 : i32
        %dma_start3A_287 = tpu.memref_slice %arg6[%dma_start3A_285, %dma_start3A_286] : memref<512x64xf32, #tpu.memory_space<vmem>> -> memref<128x64xf32, #tpu.memory_space<vmem>>
        %dma_start3A_288 = arith.constant 0 : i32
        %dma_start3A_289 = tpu.memref_slice %arg5[%add3A_284, %dma_start3A_288] : memref<200x128xi32, #tpu.memory_space<vmem>> -> memref<1x128xi32, #tpu.memory_space<vmem>>
        %dma_start3A_290 = tpu.memref_squeeze %dma_start3A_289 : memref<1x128xi32, #tpu.memory_space<vmem>> -> memref<128xi32, #tpu.memory_space<vmem>>
        %dma_start3A_291 = arith.constant 0 : i32
        %dma_start3A_292 = arith.constant 0 : i32
        %dma_start3A_293 = tpu.memref_slice %arg3[%dma_start3A_291, %dma_start3A_292] : memref<1000000x64xf32, #tpu.memory_space<hbm>> -> memref<1000000x64xf32, #tpu.memory_space<hbm>>
        tpu.enqueue_indirect_dma source(%dma_start3A_293 : memref<1000000x64xf32, #tpu.memory_space<hbm>>) target(%dma_start3A_287 : memref<128x64xf32, #tpu.memory_space<vmem>>) offsets(%dma_start3A_290 : memref<128xi32, #tpu.memory_space<vmem>>) semaphore(%arg8 : memref<!tpu.dma_semaphore, #tpu.memory_space<semaphore_mem>>)
        %add3A_294 = arith.constant 1 : i32
        %add3A_295 = arith.addi %add3A_152, %add3A_294 : i32
        %mul3A_296 = arith.constant 4 : i32
        %mul3A_297 = arith.muli %add3A_295, %mul3A_296 : i32
        %add3A_298 = arith.constant 3 : i32
        %add3A_299 = arith.addi %mul3A_297, %add3A_298 : i32
        %dma_start3A_300 = arith.constant 384 : i32
        %dma_start3A_301 = arith.constant 0 : i32
        %dma_start3A_302 = tpu.memref_slice %arg6[%dma_start3A_300, %dma_start3A_301] : memref<512x64xf32, #tpu.memory_space<vmem>> -> memref<128x64xf32, #tpu.memory_space<vmem>>
        %dma_start3A_303 = arith.constant 0 : i32
        %dma_start3A_304 = tpu.memref_slice %arg5[%add3A_299, %dma_start3A_303] : memref<200x128xi32, #tpu.memory_space<vmem>> -> memref<1x128xi32, #tpu.memory_space<vmem>>
        %dma_start3A_305 = tpu.memref_squeeze %dma_start3A_304 : memref<1x128xi32, #tpu.memory_space<vmem>> -> memref<128xi32, #tpu.memory_space<vmem>>
        %dma_start3A_306 = arith.constant 0 : i32
        %dma_start3A_307 = arith.constant 0 : i32
        %dma_start3A_308 = tpu.memref_slice %arg3[%dma_start3A_306, %dma_start3A_307] : memref<1000000x64xf32, #tpu.memory_space<hbm>> -> memref<1000000x64xf32, #tpu.memory_space<hbm>>
        tpu.enqueue_indirect_dma source(%dma_start3A_308 : memref<1000000x64xf32, #tpu.memory_space<hbm>>) target(%dma_start3A_302 : memref<128x64xf32, #tpu.memory_space<vmem>>) offsets(%dma_start3A_305 : memref<128xi32, #tpu.memory_space<vmem>>) semaphore(%arg8 : memref<!tpu.dma_semaphore, #tpu.memory_space<semaphore_mem>>)
      } else {
      }
      %mul3A_160 = arith.constant 4 : i32
      %mul3A_161 = arith.muli %add3A_152, %mul3A_160 : i32
      %add3A_162 = arith.constant 0 : i32
      %add3A_163 = arith.addi %mul3A_161, %add3A_162 : i32
      %dma_wait3A_164 = arith.constant 0 : i32
      %dma_wait3A_165 = arith.constant 0 : i32
      %dma_wait3A_166 = tpu.memref_slice %arg7[%dma_wait3A_164, %dma_wait3A_165] : memref<512x64xf32, #tpu.memory_space<vmem>> -> memref<128x64xf32, #tpu.memory_space<vmem>>
      %dma_wait3A_167 = arith.constant 0 : i32
      %dma_wait3A_168 = tpu.memref_slice %arg5[%add3A_163, %dma_wait3A_167] : memref<200x128xi32, #tpu.memory_space<vmem>> -> memref<1x128xi32, #tpu.memory_space<vmem>>
      %dma_wait3A_169 = tpu.memref_squeeze %dma_wait3A_168 : memref<1x128xi32, #tpu.memory_space<vmem>> -> memref<128xi32, #tpu.memory_space<vmem>>
      %dma_wait3A_170 = arith.constant 0 : i32
      %dma_wait3A_171 = arith.constant 0 : i32
      %dma_wait3A_172 = tpu.memref_slice %arg3[%dma_wait3A_170, %dma_wait3A_171] : memref<1000000x64xf32, #tpu.memory_space<hbm>> -> memref<1000000x64xf32, #tpu.memory_space<hbm>>
      tpu.wait_indirect_dma semaphore(%arg9 : memref<!tpu.dma_semaphore, #tpu.memory_space<semaphore_mem>>) src(%dma_wait3A_172 : memref<1000000x64xf32, #tpu.memory_space<hbm>>) dst(%dma_wait3A_166 : memref<128x64xf32, #tpu.memory_space<vmem>>)
      %scan3A_173 = arith.constant 0 : i32
      %scan3A_174 = arith.constant 0 : i32
      %scan3A_175 = arith.constant 128 : i32
      %scan3A_176 = arith.addi %scan3A_174, %scan3A_175 : i32
      %scan3A_177 = arith.constant 2 : i32
      scf.for %scan3A_243 = %scan3A_174 to %scan3A_176 step %scan3A_177  : i32 {
        %get3A = arith.index_cast %scan3A_243 : i32 to index
        %get3A_244 = arith.constant 0 : index
        %get3A_245 = tpu.vector_load %arg7[%get3A, %get3A_244] {strides = array<i32>} : memref<512x64xf32, #tpu.memory_space<vmem>>, vector<1x16xf32>,
        %get3A_246 = vector.shape_cast %get3A_245 : vector<1x16xf32> to vector<16xf32>
        %mul3A_247 = arith.constant 8.000000e+00 : f32
        %mul3A_248 = vector.broadcast %mul3A_247 : f32 to vector<16xf32>
        %mul3A_249 = arith.mulf %get3A_246, %mul3A_248 : vector<16xf32>
        %swap3A = arith.index_cast %scan3A_243 : i32 to index
        %swap3A_250 = arith.constant 0 : index
        %swap3A_251 = tpu.vector_load %arg7[%swap3A, %swap3A_250] {strides = array<i32>} : memref<512x64xf32, #tpu.memory_space<vmem>>, vector<1x16xf32>,
        %swap3A_252 = vector.shape_cast %swap3A_251 : vector<1x16xf32> to vector<16xf32>
        %swap3A_253 = vector.shape_cast %mul3A_249 : vector<16xf32> to vector<1x16xf32>
        tpu.vector_store %arg7[%swap3A, %swap3A_250], %swap3A_253 {strides = array<i32>} : memref<512x64xf32, #tpu.memory_space<vmem>>, vector<1x16xf32>,
        %get3A_254 = arith.index_cast %scan3A_243 : i32 to index
        %get3A_255 = arith.constant 16 : index
        %get3A_256 = tpu.vector_load %arg7[%get3A_254, %get3A_255] {strides = array<i32>} : memref<512x64xf32, #tpu.memory_space<vmem>>, vector<1x16xf32>,
        %get3A_257 = vector.shape_cast %get3A_256 : vector<1x16xf32> to vector<16xf32>
        %mul3A_258 = arith.constant 8.000000e+00 : f32
        %mul3A_259 = vector.broadcast %mul3A_258 : f32 to vector<16xf32>
        %mul3A_260 = arith.mulf %get3A_257, %mul3A_259 : vector<16xf32>
        %swap3A_261 = arith.index_cast %scan3A_243 : i32 to index
        %swap3A_262 = arith.constant 16 : index
        %swap3A_263 = tpu.vector_load %arg7[%swap3A_261, %swap3A_262] {strides = array<i32>} : memref<512x64xf32, #tpu.memory_space<vmem>>, vector<1x16xf32>,
        %swap3A_264 = vector.shape_cast %swap3A_263 : vector<1x16xf32> to vector<16xf32>
        %swap3A_265 = vector.shape_cast %mul3A_260 : vector<16xf32> to vector<1x16xf32>
        tpu.vector_store %arg7[%swap3A_261, %swap3A_262], %swap3A_265 {strides = array<i32>} : memref<512x64xf32, #tpu.memory_space<vmem>>, vector<1x16xf32>,
        %get3A_266 = arith.index_cast %scan3A_243 : i32 to index
        %get3A_267 = arith.constant 32 : index
        %get3A_268 = tpu.vector_load %arg7[%get3A_266, %get3A_267] {strides = array<i32>} : memref<512x64xf32, #tpu.memory_space<vmem>>, vector<1x16xf32>,
        %get3A_269 = vector.shape_cast %get3A_268 : vector<1x16xf32> to vector<16xf32>
        %mul3A_270 = arith.constant 8.000000e+00 : f32
        %mul3A_271 = vector.broadcast %mul3A_270 : f32 to vector<16xf32>
        %mul3A_272 = arith.mulf %get3A_269, %mul3A_271 : vector<16xf32>
        %swap3A_273 = arith.index_cast %scan3A_243 : i32 to index
        %swap3A_274 = arith.constant 32 : index
        %swap3A_275 = tpu.vector_load %arg7[%swap3A_273, %swap3A_274] {strides = array<i32>} : memref<512x64xf32, #tpu.memory_space<vmem>>, vector<1x16xf32>,
        %swap3A_276 = vector.shape_cast %swap3A_275 : vector<1x16xf32> to vector<16xf32>
        %swap3A_277 = vector.shape_cast %mul3A_272 : vector<16xf32> to vector<1x16xf32>
        tpu.vector_store %arg7[%swap3A_273, %swap3A_274], %swap3A_277 {strides = array<i32>} : memref<512x64xf32, #tpu.memory_space<vmem>>, vector<1x16xf32>,
        %get3A_278 = arith.index_cast %scan3A_243 : i32 to index
        %get3A_279 = arith.constant 48 : index
        %get3A_280 = tpu.vector_load %arg7[%get3A_278, %get3A_279] {strides = array<i32>} : memref<512x64xf32, #tpu.memory_space<vmem>>, vector<1x16xf32>,
        %get3A_281 = vector.shape_cast %get3A_280 : vector<1x16xf32> to vector<16xf32>
        %mul3A_282 = arith.constant 8.000000e+00 : f32
        %mul3A_283 = vector.broadcast %mul3A_282 : f32 to vector<16xf32>
        %mul3A_284 = arith.mulf %get3A_281, %mul3A_283 : vector<16xf32>
        %swap3A_285 = arith.index_cast %scan3A_243 : i32 to index
        %swap3A_286 = arith.constant 48 : index
        %swap3A_287 = tpu.vector_load %arg7[%swap3A_285, %swap3A_286] {strides = array<i32>} : memref<512x64xf32, #tpu.memory_space<vmem>>, vector<1x16xf32>,
        %swap3A_288 = vector.shape_cast %swap3A_287 : vector<1x16xf32> to vector<16xf32>
        %swap3A_289 = vector.shape_cast %mul3A_284 : vector<16xf32> to vector<1x16xf32>
        tpu.vector_store %arg7[%swap3A_285, %swap3A_286], %swap3A_289 {strides = array<i32>} : memref<512x64xf32, #tpu.memory_space<vmem>>, vector<1x16xf32>,
        %scan3A_290 = arith.constant 1 : i32
        %scan3A_291 = arith.addi %scan3A_243, %scan3A_290 : i32
        %get3A_292 = arith.index_cast %scan3A_291 : i32 to index
        %get3A_293 = arith.constant 0 : index
        %get3A_294 = tpu.vector_load %arg7[%get3A_292, %get3A_293] {strides = array<i32>} : memref<512x64xf32, #tpu.memory_space<vmem>>, vector<1x16xf32>,
        %get3A_295 = vector.shape_cast %get3A_294 : vector<1x16xf32> to vector<16xf32>
        %mul3A_296 = arith.constant 8.000000e+00 : f32
        %mul3A_297 = vector.broadcast %mul3A_296 : f32 to vector<16xf32>
        %mul3A_298 = arith.mulf %get3A_295, %mul3A_297 : vector<16xf32>
        %swap3A_299 = arith.index_cast %scan3A_291 : i32 to index
        %swap3A_300 = arith.constant 0 : index
        %swap3A_301 = tpu.vector_load %arg7[%swap3A_299, %swap3A_300] {strides = array<i32>} : memref<512x64xf32, #tpu.memory_space<vmem>>, vector<1x16xf32>,
        %swap3A_302 = vector.shape_cast %swap3A_301 : vector<1x16xf32> to vector<16xf32>
        %swap3A_303 = vector.shape_cast %mul3A_298 : vector<16xf32> to vector<1x16xf32>
        tpu.vector_store %arg7[%swap3A_299, %swap3A_300], %swap3A_303 {strides = array<i32>} : memref<512x64xf32, #tpu.memory_space<vmem>>, vector<1x16xf32>,
        %get3A_304 = arith.index_cast %scan3A_291 : i32 to index
        %get3A_305 = arith.constant 16 : index
        %get3A_306 = tpu.vector_load %arg7[%get3A_304, %get3A_305] {strides = array<i32>} : memref<512x64xf32, #tpu.memory_space<vmem>>, vector<1x16xf32>,
        %get3A_307 = vector.shape_cast %get3A_306 : vector<1x16xf32> to vector<16xf32>
        %mul3A_308 = arith.constant 8.000000e+00 : f32
        %mul3A_309 = vector.broadcast %mul3A_308 : f32 to vector<16xf32>
        %mul3A_310 = arith.mulf %get3A_307, %mul3A_309 : vector<16xf32>
        %swap3A_311 = arith.index_cast %scan3A_291 : i32 to index
        %swap3A_312 = arith.constant 16 : index
        %swap3A_313 = tpu.vector_load %arg7[%swap3A_311, %swap3A_312] {strides = array<i32>} : memref<512x64xf32, #tpu.memory_space<vmem>>, vector<1x16xf32>,
        %swap3A_314 = vector.shape_cast %swap3A_313 : vector<1x16xf32> to vector<16xf32>
        %swap3A_315 = vector.shape_cast %mul3A_310 : vector<16xf32> to vector<1x16xf32>
        tpu.vector_store %arg7[%swap3A_311, %swap3A_312], %swap3A_315 {strides = array<i32>} : memref<512x64xf32, #tpu.memory_space<vmem>>, vector<1x16xf32>,
        %get3A_316 = arith.index_cast %scan3A_291 : i32 to index
        %get3A_317 = arith.constant 32 : index
        %get3A_318 = tpu.vector_load %arg7[%get3A_316, %get3A_317] {strides = array<i32>} : memref<512x64xf32, #tpu.memory_space<vmem>>, vector<1x16xf32>,
        %get3A_319 = vector.shape_cast %get3A_318 : vector<1x16xf32> to vector<16xf32>
        %mul3A_320 = arith.constant 8.000000e+00 : f32
        %mul3A_321 = vector.broadcast %mul3A_320 : f32 to vector<16xf32>
        %mul3A_322 = arith.mulf %get3A_319, %mul3A_321 : vector<16xf32>
        %swap3A_323 = arith.index_cast %scan3A_291 : i32 to index
        %swap3A_324 = arith.constant 32 : index
        %swap3A_325 = tpu.vector_load %arg7[%swap3A_323, %swap3A_324] {strides = array<i32>} : memref<512x64xf32, #tpu.memory_space<vmem>>, vector<1x16xf32>,
        %swap3A_326 = vector.shape_cast %swap3A_325 : vector<1x16xf32> to vector<16xf32>
        %swap3A_327 = vector.shape_cast %mul3A_322 : vector<16xf32> to vector<1x16xf32>
        tpu.vector_store %arg7[%swap3A_323, %swap3A_324], %swap3A_327 {strides = array<i32>} : memref<512x64xf32, #tpu.memory_space<vmem>>, vector<1x16xf32>,
        %get3A_328 = arith.index_cast %scan3A_291 : i32 to index
        %get3A_329 = arith.constant 48 : index
        %get3A_330 = tpu.vector_load %arg7[%get3A_328, %get3A_329] {strides = array<i32>} : memref<512x64xf32, #tpu.memory_space<vmem>>, vector<1x16xf32>,
        %get3A_331 = vector.shape_cast %get3A_330 : vector<1x16xf32> to vector<16xf32>
        %mul3A_332 = arith.constant 8.000000e+00 : f32
        %mul3A_333 = vector.broadcast %mul3A_332 : f32 to vector<16xf32>
        %mul3A_334 = arith.mulf %get3A_331, %mul3A_333 : vector<16xf32>
        %swap3A_335 = arith.index_cast %scan3A_291 : i32 to index
        %swap3A_336 = arith.constant 48 : index
        %swap3A_337 = tpu.vector_load %arg7[%swap3A_335, %swap3A_336] {strides = array<i32>} : memref<512x64xf32, #tpu.memory_space<vmem>>, vector<1x16xf32>,
        %swap3A_338 = vector.shape_cast %swap3A_337 : vector<1x16xf32> to vector<16xf32>
        %swap3A_339 = vector.shape_cast %mul3A_334 : vector<16xf32> to vector<1x16xf32>
        tpu.vector_store %arg7[%swap3A_335, %swap3A_336], %swap3A_339 {strides = array<i32>} : memref<512x64xf32, #tpu.memory_space<vmem>>, vector<1x16xf32>,
      }
      %scan3A_178 = arith.constant 128 : i32
      %mul3A_179 = arith.constant 4 : i32
      %mul3A_180 = arith.muli %add3A_152, %mul3A_179 : i32
      %add3A_181 = arith.constant 1 : i32
      %add3A_182 = arith.addi %mul3A_180, %add3A_181 : i32
      %dma_wait3A_183 = arith.constant 128 : i32
      %dma_wait3A_184 = arith.constant 0 : i32
      %dma_wait3A_185 = tpu.memref_slice %arg7[%dma_wait3A_183, %dma_wait3A_184] : memref<512x64xf32, #tpu.memory_space<vmem>> -> memref<128x64xf32, #tpu.memory_space<vmem>>
      %dma_wait3A_186 = arith.constant 0 : i32
      %dma_wait3A_187 = tpu.memref_slice %arg5[%add3A_182, %dma_wait3A_186] : memref<200x128xi32, #tpu.memory_space<vmem>> -> memref<1x128xi32, #tpu.memory_space<vmem>>
      %dma_wait3A_188 = tpu.memref_squeeze %dma_wait3A_187 : memref<1x128xi32, #tpu.memory_space<vmem>> -> memref<128xi32, #tpu.memory_space<vmem>>
      %dma_wait3A_189 = arith.constant 0 : i32
      %dma_wait3A_190 = arith.constant 0 : i32
      %dma_wait3A_191 = tpu.memref_slice %arg3[%dma_wait3A_189, %dma_wait3A_190] : memref<1000000x64xf32, #tpu.memory_space<hbm>> -> memref<1000000x64xf32, #tpu.memory_space<hbm>>
      tpu.wait_indirect_dma semaphore(%arg9 : memref<!tpu.dma_semaphore, #tpu.memory_space<semaphore_mem>>) src(%dma_wait3A_191 : memref<1000000x64xf32, #tpu.memory_space<hbm>>) dst(%dma_wait3A_185 : memref<128x64xf32, #tpu.memory_space<vmem>>)
      %scan3A_192 = arith.constant 0 : i32
      %scan3A_193 = arith.constant 128 : i32
      %scan3A_194 = arith.constant 128 : i32
      %scan3A_195 = arith.addi %scan3A_193, %scan3A_194 : i32
      %scan3A_196 = arith.constant 2 : i32
      scf.for %scan3A_243 = %scan3A_193 to %scan3A_195 step %scan3A_196  : i32 {
        %get3A = arith.index_cast %scan3A_243 : i32 to index
        %get3A_244 = arith.constant 0 : index
        %get3A_245 = tpu.vector_load %arg7[%get3A, %get3A_244] {strides = array<i32>} : memref<512x64xf32, #tpu.memory_space<vmem>>, vector<1x16xf32>,
        %get3A_246 = vector.shape_cast %get3A_245 : vector<1x16xf32> to vector<16xf32>
        %mul3A_247 = arith.constant 8.000000e+00 : f32
        %mul3A_248 = vector.broadcast %mul3A_247 : f32 to vector<16xf32>
        %mul3A_249 = arith.mulf %get3A_246, %mul3A_248 : vector<16xf32>
        %swap3A = arith.index_cast %scan3A_243 : i32 to index
        %swap3A_250 = arith.constant 0 : index
        %swap3A_251 = tpu.vector_load %arg7[%swap3A, %swap3A_250] {strides = array<i32>} : memref<512x64xf32, #tpu.memory_space<vmem>>, vector<1x16xf32>,
        %swap3A_252 = vector.shape_cast %swap3A_251 : vector<1x16xf32> to vector<16xf32>
        %swap3A_253 = vector.shape_cast %mul3A_249 : vector<16xf32> to vector<1x16xf32>
        tpu.vector_store %arg7[%swap3A, %swap3A_250], %swap3A_253 {strides = array<i32>} : memref<512x64xf32, #tpu.memory_space<vmem>>, vector<1x16xf32>,
        %get3A_254 = arith.index_cast %scan3A_243 : i32 to index
        %get3A_255 = arith.constant 16 : index
        %get3A_256 = tpu.vector_load %arg7[%get3A_254, %get3A_255] {strides = array<i32>} : memref<512x64xf32, #tpu.memory_space<vmem>>, vector<1x16xf32>,
        %get3A_257 = vector.shape_cast %get3A_256 : vector<1x16xf32> to vector<16xf32>
        %mul3A_258 = arith.constant 8.000000e+00 : f32
        %mul3A_259 = vector.broadcast %mul3A_258 : f32 to vector<16xf32>
        %mul3A_260 = arith.mulf %get3A_257, %mul3A_259 : vector<16xf32>
        %swap3A_261 = arith.index_cast %scan3A_243 : i32 to index
        %swap3A_262 = arith.constant 16 : index
        %swap3A_263 = tpu.vector_load %arg7[%swap3A_261, %swap3A_262] {strides = array<i32>} : memref<512x64xf32, #tpu.memory_space<vmem>>, vector<1x16xf32>,
        %swap3A_264 = vector.shape_cast %swap3A_263 : vector<1x16xf32> to vector<16xf32>
        %swap3A_265 = vector.shape_cast %mul3A_260 : vector<16xf32> to vector<1x16xf32>
        tpu.vector_store %arg7[%swap3A_261, %swap3A_262], %swap3A_265 {strides = array<i32>} : memref<512x64xf32, #tpu.memory_space<vmem>>, vector<1x16xf32>,
        %get3A_266 = arith.index_cast %scan3A_243 : i32 to index
        %get3A_267 = arith.constant 32 : index
        %get3A_268 = tpu.vector_load %arg7[%get3A_266, %get3A_267] {strides = array<i32>} : memref<512x64xf32, #tpu.memory_space<vmem>>, vector<1x16xf32>,
        %get3A_269 = vector.shape_cast %get3A_268 : vector<1x16xf32> to vector<16xf32>
        %mul3A_270 = arith.constant 8.000000e+00 : f32
        %mul3A_271 = vector.broadcast %mul3A_270 : f32 to vector<16xf32>
        %mul3A_272 = arith.mulf %get3A_269, %mul3A_271 : vector<16xf32>
        %swap3A_273 = arith.index_cast %scan3A_243 : i32 to index
        %swap3A_274 = arith.constant 32 : index
        %swap3A_275 = tpu.vector_load %arg7[%swap3A_273, %swap3A_274] {strides = array<i32>} : memref<512x64xf32, #tpu.memory_space<vmem>>, vector<1x16xf32>,
        %swap3A_276 = vector.shape_cast %swap3A_275 : vector<1x16xf32> to vector<16xf32>
        %swap3A_277 = vector.shape_cast %mul3A_272 : vector<16xf32> to vector<1x16xf32>
        tpu.vector_store %arg7[%swap3A_273, %swap3A_274], %swap3A_277 {strides = array<i32>} : memref<512x64xf32, #tpu.memory_space<vmem>>, vector<1x16xf32>,
        %get3A_278 = arith.index_cast %scan3A_243 : i32 to index
        %get3A_279 = arith.constant 48 : index
        %get3A_280 = tpu.vector_load %arg7[%get3A_278, %get3A_279] {strides = array<i32>} : memref<512x64xf32, #tpu.memory_space<vmem>>, vector<1x16xf32>,
        %get3A_281 = vector.shape_cast %get3A_280 : vector<1x16xf32> to vector<16xf32>
        %mul3A_282 = arith.constant 8.000000e+00 : f32
        %mul3A_283 = vector.broadcast %mul3A_282 : f32 to vector<16xf32>
        %mul3A_284 = arith.mulf %get3A_281, %mul3A_283 : vector<16xf32>
        %swap3A_285 = arith.index_cast %scan3A_243 : i32 to index
        %swap3A_286 = arith.constant 48 : index
        %swap3A_287 = tpu.vector_load %arg7[%swap3A_285, %swap3A_286] {strides = array<i32>} : memref<512x64xf32, #tpu.memory_space<vmem>>, vector<1x16xf32>,
        %swap3A_288 = vector.shape_cast %swap3A_287 : vector<1x16xf32> to vector<16xf32>
        %swap3A_289 = vector.shape_cast %mul3A_284 : vector<16xf32> to vector<1x16xf32>
        tpu.vector_store %arg7[%swap3A_285, %swap3A_286], %swap3A_289 {strides = array<i32>} : memref<512x64xf32, #tpu.memory_space<vmem>>, vector<1x16xf32>,
        %scan3A_290 = arith.constant 1 : i32
        %scan3A_291 = arith.addi %scan3A_243, %scan3A_290 : i32
        %get3A_292 = arith.index_cast %scan3A_291 : i32 to index
        %get3A_293 = arith.constant 0 : index
        %get3A_294 = tpu.vector_load %arg7[%get3A_292, %get3A_293] {strides = array<i32>} : memref<512x64xf32, #tpu.memory_space<vmem>>, vector<1x16xf32>,
        %get3A_295 = vector.shape_cast %get3A_294 : vector<1x16xf32> to vector<16xf32>
        %mul3A_296 = arith.constant 8.000000e+00 : f32
        %mul3A_297 = vector.broadcast %mul3A_296 : f32 to vector<16xf32>
        %mul3A_298 = arith.mulf %get3A_295, %mul3A_297 : vector<16xf32>
        %swap3A_299 = arith.index_cast %scan3A_291 : i32 to index
        %swap3A_300 = arith.constant 0 : index
        %swap3A_301 = tpu.vector_load %arg7[%swap3A_299, %swap3A_300] {strides = array<i32>} : memref<512x64xf32, #tpu.memory_space<vmem>>, vector<1x16xf32>,
        %swap3A_302 = vector.shape_cast %swap3A_301 : vector<1x16xf32> to vector<16xf32>
        %swap3A_303 = vector.shape_cast %mul3A_298 : vector<16xf32> to vector<1x16xf32>
        tpu.vector_store %arg7[%swap3A_299, %swap3A_300], %swap3A_303 {strides = array<i32>} : memref<512x64xf32, #tpu.memory_space<vmem>>, vector<1x16xf32>,
        %get3A_304 = arith.index_cast %scan3A_291 : i32 to index
        %get3A_305 = arith.constant 16 : index
        %get3A_306 = tpu.vector_load %arg7[%get3A_304, %get3A_305] {strides = array<i32>} : memref<512x64xf32, #tpu.memory_space<vmem>>, vector<1x16xf32>,
        %get3A_307 = vector.shape_cast %get3A_306 : vector<1x16xf32> to vector<16xf32>
        %mul3A_308 = arith.constant 8.000000e+00 : f32
        %mul3A_309 = vector.broadcast %mul3A_308 : f32 to vector<16xf32>
        %mul3A_310 = arith.mulf %get3A_307, %mul3A_309 : vector<16xf32>
        %swap3A_311 = arith.index_cast %scan3A_291 : i32 to index
        %swap3A_312 = arith.constant 16 : index
        %swap3A_313 = tpu.vector_load %arg7[%swap3A_311, %swap3A_312] {strides = array<i32>} : memref<512x64xf32, #tpu.memory_space<vmem>>, vector<1x16xf32>,
        %swap3A_314 = vector.shape_cast %swap3A_313 : vector<1x16xf32> to vector<16xf32>
        %swap3A_315 = vector.shape_cast %mul3A_310 : vector<16xf32> to vector<1x16xf32>
        tpu.vector_store %arg7[%swap3A_311, %swap3A_312], %swap3A_315 {strides = array<i32>} : memref<512x64xf32, #tpu.memory_space<vmem>>, vector<1x16xf32>,
        %get3A_316 = arith.index_cast %scan3A_291 : i32 to index
        %get3A_317 = arith.constant 32 : index
        %get3A_318 = tpu.vector_load %arg7[%get3A_316, %get3A_317] {strides = array<i32>} : memref<512x64xf32, #tpu.memory_space<vmem>>, vector<1x16xf32>,
        %get3A_319 = vector.shape_cast %get3A_318 : vector<1x16xf32> to vector<16xf32>
        %mul3A_320 = arith.constant 8.000000e+00 : f32
        %mul3A_321 = vector.broadcast %mul3A_320 : f32 to vector<16xf32>
        %mul3A_322 = arith.mulf %get3A_319, %mul3A_321 : vector<16xf32>
        %swap3A_323 = arith.index_cast %scan3A_291 : i32 to index
        %swap3A_324 = arith.constant 32 : index
        %swap3A_325 = tpu.vector_load %arg7[%swap3A_323, %swap3A_324] {strides = array<i32>} : memref<512x64xf32, #tpu.memory_space<vmem>>, vector<1x16xf32>,
        %swap3A_326 = vector.shape_cast %swap3A_325 : vector<1x16xf32> to vector<16xf32>
        %swap3A_327 = vector.shape_cast %mul3A_322 : vector<16xf32> to vector<1x16xf32>
        tpu.vector_store %arg7[%swap3A_323, %swap3A_324], %swap3A_327 {strides = array<i32>} : memref<512x64xf32, #tpu.memory_space<vmem>>, vector<1x16xf32>,
        %get3A_328 = arith.index_cast %scan3A_291 : i32 to index
        %get3A_329 = arith.constant 48 : index
        %get3A_330 = tpu.vector_load %arg7[%get3A_328, %get3A_329] {strides = array<i32>} : memref<512x64xf32, #tpu.memory_space<vmem>>, vector<1x16xf32>,
        %get3A_331 = vector.shape_cast %get3A_330 : vector<1x16xf32> to vector<16xf32>
        %mul3A_332 = arith.constant 8.000000e+00 : f32
        %mul3A_333 = vector.broadcast %mul3A_332 : f32 to vector<16xf32>
        %mul3A_334 = arith.mulf %get3A_331, %mul3A_333 : vector<16xf32>
        %swap3A_335 = arith.index_cast %scan3A_291 : i32 to index
        %swap3A_336 = arith.constant 48 : index
        %swap3A_337 = tpu.vector_load %arg7[%swap3A_335, %swap3A_336] {strides = array<i32>} : memref<512x64xf32, #tpu.memory_space<vmem>>, vector<1x16xf32>,
        %swap3A_338 = vector.shape_cast %swap3A_337 : vector<1x16xf32> to vector<16xf32>
        %swap3A_339 = vector.shape_cast %mul3A_334 : vector<16xf32> to vector<1x16xf32>
        tpu.vector_store %arg7[%swap3A_335, %swap3A_336], %swap3A_339 {strides = array<i32>} : memref<512x64xf32, #tpu.memory_space<vmem>>, vector<1x16xf32>,
      }
      %scan3A_197 = arith.constant 128 : i32
      %mul3A_198 = arith.constant 4 : i32
      %mul3A_199 = arith.muli %add3A_152, %mul3A_198 : i32
      %add3A_200 = arith.constant 2 : i32
      %add3A_201 = arith.addi %mul3A_199, %add3A_200 : i32
      %dma_wait3A_202 = arith.constant 256 : i32
      %dma_wait3A_203 = arith.constant 0 : i32
      %dma_wait3A_204 = tpu.memref_slice %arg7[%dma_wait3A_202, %dma_wait3A_203] : memref<512x64xf32, #tpu.memory_space<vmem>> -> memref<128x64xf32, #tpu.memory_space<vmem>>
      %dma_wait3A_205 = arith.constant 0 : i32
      %dma_wait3A_206 = tpu.memref_slice %arg5[%add3A_201, %dma_wait3A_205] : memref<200x128xi32, #tpu.memory_space<vmem>> -> memref<1x128xi32, #tpu.memory_space<vmem>>
      %dma_wait3A_207 = tpu.memref_squeeze %dma_wait3A_206 : memref<1x128xi32, #tpu.memory_space<vmem>> -> memref<128xi32, #tpu.memory_space<vmem>>
      %dma_wait3A_208 = arith.constant 0 : i32
      %dma_wait3A_209 = arith.constant 0 : i32
      %dma_wait3A_210 = tpu.memref_slice %arg3[%dma_wait3A_208, %dma_wait3A_209] : memref<1000000x64xf32, #tpu.memory_space<hbm>> -> memref<1000000x64xf32, #tpu.memory_space<hbm>>
      tpu.wait_indirect_dma semaphore(%arg9 : memref<!tpu.dma_semaphore, #tpu.memory_space<semaphore_mem>>) src(%dma_wait3A_210 : memref<1000000x64xf32, #tpu.memory_space<hbm>>) dst(%dma_wait3A_204 : memref<128x64xf32, #tpu.memory_space<vmem>>)
      %scan3A_211 = arith.constant 0 : i32
      %scan3A_212 = arith.constant 256 : i32
      %scan3A_213 = arith.constant 128 : i32
      %scan3A_214 = arith.addi %scan3A_212, %scan3A_213 : i32
      %scan3A_215 = arith.constant 2 : i32
      scf.for %scan3A_243 = %scan3A_212 to %scan3A_214 step %scan3A_215  : i32 {
        %get3A = arith.index_cast %scan3A_243 : i32 to index
        %get3A_244 = arith.constant 0 : index
        %get3A_245 = tpu.vector_load %arg7[%get3A, %get3A_244] {strides = array<i32>} : memref<512x64xf32, #tpu.memory_space<vmem>>, vector<1x16xf32>,
        %get3A_246 = vector.shape_cast %get3A_245 : vector<1x16xf32> to vector<16xf32>
        %mul3A_247 = arith.constant 8.000000e+00 : f32
        %mul3A_248 = vector.broadcast %mul3A_247 : f32 to vector<16xf32>
        %mul3A_249 = arith.mulf %get3A_246, %mul3A_248 : vector<16xf32>
        %swap3A = arith.index_cast %scan3A_243 : i32 to index
        %swap3A_250 = arith.constant 0 : index
        %swap3A_251 = tpu.vector_load %arg7[%swap3A, %swap3A_250] {strides = array<i32>} : memref<512x64xf32, #tpu.memory_space<vmem>>, vector<1x16xf32>,
        %swap3A_252 = vector.shape_cast %swap3A_251 : vector<1x16xf32> to vector<16xf32>
        %swap3A_253 = vector.shape_cast %mul3A_249 : vector<16xf32> to vector<1x16xf32>
        tpu.vector_store %arg7[%swap3A, %swap3A_250], %swap3A_253 {strides = array<i32>} : memref<512x64xf32, #tpu.memory_space<vmem>>, vector<1x16xf32>,
        %get3A_254 = arith.index_cast %scan3A_243 : i32 to index
        %get3A_255 = arith.constant 16 : index
        %get3A_256 = tpu.vector_load %arg7[%get3A_254, %get3A_255] {strides = array<i32>} : memref<512x64xf32, #tpu.memory_space<vmem>>, vector<1x16xf32>,
        %get3A_257 = vector.shape_cast %get3A_256 : vector<1x16xf32> to vector<16xf32>
        %mul3A_258 = arith.constant 8.000000e+00 : f32
        %mul3A_259 = vector.broadcast %mul3A_258 : f32 to vector<16xf32>
        %mul3A_260 = arith.mulf %get3A_257, %mul3A_259 : vector<16xf32>
        %swap3A_261 = arith.index_cast %scan3A_243 : i32 to index
        %swap3A_262 = arith.constant 16 : index
        %swap3A_263 = tpu.vector_load %arg7[%swap3A_261, %swap3A_262] {strides = array<i32>} : memref<512x64xf32, #tpu.memory_space<vmem>>, vector<1x16xf32>,
        %swap3A_264 = vector.shape_cast %swap3A_263 : vector<1x16xf32> to vector<16xf32>
        %swap3A_265 = vector.shape_cast %mul3A_260 : vector<16xf32> to vector<1x16xf32>
        tpu.vector_store %arg7[%swap3A_261, %swap3A_262], %swap3A_265 {strides = array<i32>} : memref<512x64xf32, #tpu.memory_space<vmem>>, vector<1x16xf32>,
        %get3A_266 = arith.index_cast %scan3A_243 : i32 to index
        %get3A_267 = arith.constant 32 : index
        %get3A_268 = tpu.vector_load %arg7[%get3A_266, %get3A_267] {strides = array<i32>} : memref<512x64xf32, #tpu.memory_space<vmem>>, vector<1x16xf32>,
        %get3A_269 = vector.shape_cast %get3A_268 : vector<1x16xf32> to vector<16xf32>
        %mul3A_270 = arith.constant 8.000000e+00 : f32
        %mul3A_271 = vector.broadcast %mul3A_270 : f32 to vector<16xf32>
        %mul3A_272 = arith.mulf %get3A_269, %mul3A_271 : vector<16xf32>
        %swap3A_273 = arith.index_cast %scan3A_243 : i32 to index
        %swap3A_274 = arith.constant 32 : index
        %swap3A_275 = tpu.vector_load %arg7[%swap3A_273, %swap3A_274] {strides = array<i32>} : memref<512x64xf32, #tpu.memory_space<vmem>>, vector<1x16xf32>,
        %swap3A_276 = vector.shape_cast %swap3A_275 : vector<1x16xf32> to vector<16xf32>
        %swap3A_277 = vector.shape_cast %mul3A_272 : vector<16xf32> to vector<1x16xf32>
        tpu.vector_store %arg7[%swap3A_273, %swap3A_274], %swap3A_277 {strides = array<i32>} : memref<512x64xf32, #tpu.memory_space<vmem>>, vector<1x16xf32>,
        %get3A_278 = arith.index_cast %scan3A_243 : i32 to index
        %get3A_279 = arith.constant 48 : index
        %get3A_280 = tpu.vector_load %arg7[%get3A_278, %get3A_279] {strides = array<i32>} : memref<512x64xf32, #tpu.memory_space<vmem>>, vector<1x16xf32>,
        %get3A_281 = vector.shape_cast %get3A_280 : vector<1x16xf32> to vector<16xf32>
        %mul3A_282 = arith.constant 8.000000e+00 : f32
        %mul3A_283 = vector.broadcast %mul3A_282 : f32 to vector<16xf32>
        %mul3A_284 = arith.mulf %get3A_281, %mul3A_283 : vector<16xf32>
        %swap3A_285 = arith.index_cast %scan3A_243 : i32 to index
        %swap3A_286 = arith.constant 48 : index
        %swap3A_287 = tpu.vector_load %arg7[%swap3A_285, %swap3A_286] {strides = array<i32>} : memref<512x64xf32, #tpu.memory_space<vmem>>, vector<1x16xf32>,
        %swap3A_288 = vector.shape_cast %swap3A_287 : vector<1x16xf32> to vector<16xf32>
        %swap3A_289 = vector.shape_cast %mul3A_284 : vector<16xf32> to vector<1x16xf32>
        tpu.vector_store %arg7[%swap3A_285, %swap3A_286], %swap3A_289 {strides = array<i32>} : memref<512x64xf32, #tpu.memory_space<vmem>>, vector<1x16xf32>,
        %scan3A_290 = arith.constant 1 : i32
        %scan3A_291 = arith.addi %scan3A_243, %scan3A_290 : i32
        %get3A_292 = arith.index_cast %scan3A_291 : i32 to index
        %get3A_293 = arith.constant 0 : index
        %get3A_294 = tpu.vector_load %arg7[%get3A_292, %get3A_293] {strides = array<i32>} : memref<512x64xf32, #tpu.memory_space<vmem>>, vector<1x16xf32>,
        %get3A_295 = vector.shape_cast %get3A_294 : vector<1x16xf32> to vector<16xf32>
        %mul3A_296 = arith.constant 8.000000e+00 : f32
        %mul3A_297 = vector.broadcast %mul3A_296 : f32 to vector<16xf32>
        %mul3A_298 = arith.mulf %get3A_295, %mul3A_297 : vector<16xf32>
        %swap3A_299 = arith.index_cast %scan3A_291 : i32 to index
        %swap3A_300 = arith.constant 0 : index
        %swap3A_301 = tpu.vector_load %arg7[%swap3A_299, %swap3A_300] {strides = array<i32>} : memref<512x64xf32, #tpu.memory_space<vmem>>, vector<1x16xf32>,
        %swap3A_302 = vector.shape_cast %swap3A_301 : vector<1x16xf32> to vector<16xf32>
        %swap3A_303 = vector.shape_cast %mul3A_298 : vector<16xf32> to vector<1x16xf32>
        tpu.vector_store %arg7[%swap3A_299, %swap3A_300], %swap3A_303 {strides = array<i32>} : memref<512x64xf32, #tpu.memory_space<vmem>>, vector<1x16xf32>,
        %get3A_304 = arith.index_cast %scan3A_291 : i32 to index
        %get3A_305 = arith.constant 16 : index
        %get3A_306 = tpu.vector_load %arg7[%get3A_304, %get3A_305] {strides = array<i32>} : memref<512x64xf32, #tpu.memory_space<vmem>>, vector<1x16xf32>,
        %get3A_307 = vector.shape_cast %get3A_306 : vector<1x16xf32> to vector<16xf32>
        %mul3A_308 = arith.constant 8.000000e+00 : f32
        %mul3A_309 = vector.broadcast %mul3A_308 : f32 to vector<16xf32>
        %mul3A_310 = arith.mulf %get3A_307, %mul3A_309 : vector<16xf32>
        %swap3A_311 = arith.index_cast %scan3A_291 : i32 to index
        %swap3A_312 = arith.constant 16 : index
        %swap3A_313 = tpu.vector_load %arg7[%swap3A_311, %swap3A_312] {strides = array<i32>} : memref<512x64xf32, #tpu.memory_space<vmem>>, vector<1x16xf32>,
        %swap3A_314 = vector.shape_cast %swap3A_313 : vector<1x16xf32> to vector<16xf32>
        %swap3A_315 = vector.shape_cast %mul3A_310 : vector<16xf32> to vector<1x16xf32>
        tpu.vector_store %arg7[%swap3A_311, %swap3A_312], %swap3A_315 {strides = array<i32>} : memref<512x64xf32, #tpu.memory_space<vmem>>, vector<1x16xf32>,
        %get3A_316 = arith.index_cast %scan3A_291 : i32 to index
        %get3A_317 = arith.constant 32 : index
        %get3A_318 = tpu.vector_load %arg7[%get3A_316, %get3A_317] {strides = array<i32>} : memref<512x64xf32, #tpu.memory_space<vmem>>, vector<1x16xf32>,
        %get3A_319 = vector.shape_cast %get3A_318 : vector<1x16xf32> to vector<16xf32>
        %mul3A_320 = arith.constant 8.000000e+00 : f32
        %mul3A_321 = vector.broadcast %mul3A_320 : f32 to vector<16xf32>
        %mul3A_322 = arith.mulf %get3A_319, %mul3A_321 : vector<16xf32>
        %swap3A_323 = arith.index_cast %scan3A_291 : i32 to index
        %swap3A_324 = arith.constant 32 : index
        %swap3A_325 = tpu.vector_load %arg7[%swap3A_323, %swap3A_324] {strides = array<i32>} : memref<512x64xf32, #tpu.memory_space<vmem>>, vector<1x16xf32>,
        %swap3A_326 = vector.shape_cast %swap3A_325 : vector<1x16xf32> to vector<16xf32>
        %swap3A_327 = vector.shape_cast %mul3A_322 : vector<16xf32> to vector<1x16xf32>
        tpu.vector_store %arg7[%swap3A_323, %swap3A_324], %swap3A_327 {strides = array<i32>} : memref<512x64xf32, #tpu.memory_space<vmem>>, vector<1x16xf32>,
        %get3A_328 = arith.index_cast %scan3A_291 : i32 to index
        %get3A_329 = arith.constant 48 : index
        %get3A_330 = tpu.vector_load %arg7[%get3A_328, %get3A_329] {strides = array<i32>} : memref<512x64xf32, #tpu.memory_space<vmem>>, vector<1x16xf32>,
        %get3A_331 = vector.shape_cast %get3A_330 : vector<1x16xf32> to vector<16xf32>
        %mul3A_332 = arith.constant 8.000000e+00 : f32
        %mul3A_333 = vector.broadcast %mul3A_332 : f32 to vector<16xf32>
        %mul3A_334 = arith.mulf %get3A_331, %mul3A_333 : vector<16xf32>
        %swap3A_335 = arith.index_cast %scan3A_291 : i32 to index
        %swap3A_336 = arith.constant 48 : index
        %swap3A_337 = tpu.vector_load %arg7[%swap3A_335, %swap3A_336] {strides = array<i32>} : memref<512x64xf32, #tpu.memory_space<vmem>>, vector<1x16xf32>,
        %swap3A_338 = vector.shape_cast %swap3A_337 : vector<1x16xf32> to vector<16xf32>
        %swap3A_339 = vector.shape_cast %mul3A_334 : vector<16xf32> to vector<1x16xf32>
        tpu.vector_store %arg7[%swap3A_335, %swap3A_336], %swap3A_339 {strides = array<i32>} : memref<512x64xf32, #tpu.memory_space<vmem>>, vector<1x16xf32>,
      }
      %scan3A_216 = arith.constant 128 : i32
      %mul3A_217 = arith.constant 4 : i32
      %mul3A_218 = arith.muli %add3A_152, %mul3A_217 : i32
      %add3A_219 = arith.constant 3 : i32
      %add3A_220 = arith.addi %mul3A_218, %add3A_219 : i32
      %dma_wait3A_221 = arith.constant 384 : i32
      %dma_wait3A_222 = arith.constant 0 : i32
      %dma_wait3A_223 = tpu.memref_slice %arg7[%dma_wait3A_221, %dma_wait3A_222] : memref<512x64xf32, #tpu.memory_space<vmem>> -> memref<128x64xf32, #tpu.memory_space<vmem>>
      %dma_wait3A_224 = arith.constant 0 : i32
      %dma_wait3A_225 = tpu.memref_slice %arg5[%add3A_220, %dma_wait3A_224] : memref<200x128xi32, #tpu.memory_space<vmem>> -> memref<1x128xi32, #tpu.memory_space<vmem>>
      %dma_wait3A_226 = tpu.memref_squeeze %dma_wait3A_225 : memref<1x128xi32, #tpu.memory_space<vmem>> -> memref<128xi32, #tpu.memory_space<vmem>>
      %dma_wait3A_227 = arith.constant 0 : i32
      %dma_wait3A_228 = arith.constant 0 : i32
      %dma_wait3A_229 = tpu.memref_slice %arg3[%dma_wait3A_227, %dma_wait3A_228] : memref<1000000x64xf32, #tpu.memory_space<hbm>> -> memref<1000000x64xf32, #tpu.memory_space<hbm>>
      tpu.wait_indirect_dma semaphore(%arg9 : memref<!tpu.dma_semaphore, #tpu.memory_space<semaphore_mem>>) src(%dma_wait3A_229 : memref<1000000x64xf32, #tpu.memory_space<hbm>>) dst(%dma_wait3A_223 : memref<128x64xf32, #tpu.memory_space<vmem>>)
      %scan3A_230 = arith.constant 0 : i32
      %scan3A_231 = arith.constant 384 : i32
      %scan3A_232 = arith.constant 128 : i32
      %scan3A_233 = arith.addi %scan3A_231, %scan3A_232 : i32
      %scan3A_234 = arith.constant 2 : i32
      scf.for %scan3A_243 = %scan3A_231 to %scan3A_233 step %scan3A_234  : i32 {
        %get3A = arith.index_cast %scan3A_243 : i32 to index
        %get3A_244 = arith.constant 0 : index
        %get3A_245 = tpu.vector_load %arg7[%get3A, %get3A_244] {strides = array<i32>} : memref<512x64xf32, #tpu.memory_space<vmem>>, vector<1x16xf32>,
        %get3A_246 = vector.shape_cast %get3A_245 : vector<1x16xf32> to vector<16xf32>
        %mul3A_247 = arith.constant 8.000000e+00 : f32
        %mul3A_248 = vector.broadcast %mul3A_247 : f32 to vector<16xf32>
        %mul3A_249 = arith.mulf %get3A_246, %mul3A_248 : vector<16xf32>
        %swap3A = arith.index_cast %scan3A_243 : i32 to index
        %swap3A_250 = arith.constant 0 : index
        %swap3A_251 = tpu.vector_load %arg7[%swap3A, %swap3A_250] {strides = array<i32>} : memref<512x64xf32, #tpu.memory_space<vmem>>, vector<1x16xf32>,
        %swap3A_252 = vector.shape_cast %swap3A_251 : vector<1x16xf32> to vector<16xf32>
        %swap3A_253 = vector.shape_cast %mul3A_249 : vector<16xf32> to vector<1x16xf32>
        tpu.vector_store %arg7[%swap3A, %swap3A_250], %swap3A_253 {strides = array<i32>} : memref<512x64xf32, #tpu.memory_space<vmem>>, vector<1x16xf32>,
        %get3A_254 = arith.index_cast %scan3A_243 : i32 to index
        %get3A_255 = arith.constant 16 : index
        %get3A_256 = tpu.vector_load %arg7[%get3A_254, %get3A_255] {strides = array<i32>} : memref<512x64xf32, #tpu.memory_space<vmem>>, vector<1x16xf32>,
        %get3A_257 = vector.shape_cast %get3A_256 : vector<1x16xf32> to vector<16xf32>
        %mul3A_258 = arith.constant 8.000000e+00 : f32
        %mul3A_259 = vector.broadcast %mul3A_258 : f32 to vector<16xf32>
        %mul3A_260 = arith.mulf %get3A_257, %mul3A_259 : vector<16xf32>
        %swap3A_261 = arith.index_cast %scan3A_243 : i32 to index
        %swap3A_262 = arith.constant 16 : index
        %swap3A_263 = tpu.vector_load %arg7[%swap3A_261, %swap3A_262] {strides = array<i32>} : memref<512x64xf32, #tpu.memory_space<vmem>>, vector<1x16xf32>,
        %swap3A_264 = vector.shape_cast %swap3A_263 : vector<1x16xf32> to vector<16xf32>
        %swap3A_265 = vector.shape_cast %mul3A_260 : vector<16xf32> to vector<1x16xf32>
        tpu.vector_store %arg7[%swap3A_261, %swap3A_262], %swap3A_265 {strides = array<i32>} : memref<512x64xf32, #tpu.memory_space<vmem>>, vector<1x16xf32>,
        %get3A_266 = arith.index_cast %scan3A_243 : i32 to index
        %get3A_267 = arith.constant 32 : index
        %get3A_268 = tpu.vector_load %arg7[%get3A_266, %get3A_267] {strides = array<i32>} : memref<512x64xf32, #tpu.memory_space<vmem>>, vector<1x16xf32>,
        %get3A_269 = vector.shape_cast %get3A_268 : vector<1x16xf32> to vector<16xf32>
        %mul3A_270 = arith.constant 8.000000e+00 : f32
        %mul3A_271 = vector.broadcast %mul3A_270 : f32 to vector<16xf32>
        %mul3A_272 = arith.mulf %get3A_269, %mul3A_271 : vector<16xf32>
        %swap3A_273 = arith.index_cast %scan3A_243 : i32 to index
        %swap3A_274 = arith.constant 32 : index
        %swap3A_275 = tpu.vector_load %arg7[%swap3A_273, %swap3A_274] {strides = array<i32>} : memref<512x64xf32, #tpu.memory_space<vmem>>, vector<1x16xf32>,
        %swap3A_276 = vector.shape_cast %swap3A_275 : vector<1x16xf32> to vector<16xf32>
        %swap3A_277 = vector.shape_cast %mul3A_272 : vector<16xf32> to vector<1x16xf32>
        tpu.vector_store %arg7[%swap3A_273, %swap3A_274], %swap3A_277 {strides = array<i32>} : memref<512x64xf32, #tpu.memory_space<vmem>>, vector<1x16xf32>,
        %get3A_278 = arith.index_cast %scan3A_243 : i32 to index
        %get3A_279 = arith.constant 48 : index
        %get3A_280 = tpu.vector_load %arg7[%get3A_278, %get3A_279] {strides = array<i32>} : memref<512x64xf32, #tpu.memory_space<vmem>>, vector<1x16xf32>,
        %get3A_281 = vector.shape_cast %get3A_280 : vector<1x16xf32> to vector<16xf32>
        %mul3A_282 = arith.constant 8.000000e+00 : f32
        %mul3A_283 = vector.broadcast %mul3A_282 : f32 to vector<16xf32>
        %mul3A_284 = arith.mulf %get3A_281, %mul3A_283 : vector<16xf32>
        %swap3A_285 = arith.index_cast %scan3A_243 : i32 to index
        %swap3A_286 = arith.constant 48 : index
        %swap3A_287 = tpu.vector_load %arg7[%swap3A_285, %swap3A_286] {strides = array<i32>} : memref<512x64xf32, #tpu.memory_space<vmem>>, vector<1x16xf32>,
        %swap3A_288 = vector.shape_cast %swap3A_287 : vector<1x16xf32> to vector<16xf32>
        %swap3A_289 = vector.shape_cast %mul3A_284 : vector<16xf32> to vector<1x16xf32>
        tpu.vector_store %arg7[%swap3A_285, %swap3A_286], %swap3A_289 {strides = array<i32>} : memref<512x64xf32, #tpu.memory_space<vmem>>, vector<1x16xf32>,
        %scan3A_290 = arith.constant 1 : i32
        %scan3A_291 = arith.addi %scan3A_243, %scan3A_290 : i32
        %get3A_292 = arith.index_cast %scan3A_291 : i32 to index
        %get3A_293 = arith.constant 0 : index
        %get3A_294 = tpu.vector_load %arg7[%get3A_292, %get3A_293] {strides = array<i32>} : memref<512x64xf32, #tpu.memory_space<vmem>>, vector<1x16xf32>,
        %get3A_295 = vector.shape_cast %get3A_294 : vector<1x16xf32> to vector<16xf32>
        %mul3A_296 = arith.constant 8.000000e+00 : f32
        %mul3A_297 = vector.broadcast %mul3A_296 : f32 to vector<16xf32>
        %mul3A_298 = arith.mulf %get3A_295, %mul3A_297 : vector<16xf32>
        %swap3A_299 = arith.index_cast %scan3A_291 : i32 to index
        %swap3A_300 = arith.constant 0 : index
        %swap3A_301 = tpu.vector_load %arg7[%swap3A_299, %swap3A_300] {strides = array<i32>} : memref<512x64xf32, #tpu.memory_space<vmem>>, vector<1x16xf32>,
        %swap3A_302 = vector.shape_cast %swap3A_301 : vector<1x16xf32> to vector<16xf32>
        %swap3A_303 = vector.shape_cast %mul3A_298 : vector<16xf32> to vector<1x16xf32>
        tpu.vector_store %arg7[%swap3A_299, %swap3A_300], %swap3A_303 {strides = array<i32>} : memref<512x64xf32, #tpu.memory_space<vmem>>, vector<1x16xf32>,
        %get3A_304 = arith.index_cast %scan3A_291 : i32 to index
        %get3A_305 = arith.constant 16 : index
        %get3A_306 = tpu.vector_load %arg7[%get3A_304, %get3A_305] {strides = array<i32>} : memref<512x64xf32, #tpu.memory_space<vmem>>, vector<1x16xf32>,
        %get3A_307 = vector.shape_cast %get3A_306 : vector<1x16xf32> to vector<16xf32>
        %mul3A_308 = arith.constant 8.000000e+00 : f32
        %mul3A_309 = vector.broadcast %mul3A_308 : f32 to vector<16xf32>
        %mul3A_310 = arith.mulf %get3A_307, %mul3A_309 : vector<16xf32>
        %swap3A_311 = arith.index_cast %scan3A_291 : i32 to index
        %swap3A_312 = arith.constant 16 : index
        %swap3A_313 = tpu.vector_load %arg7[%swap3A_311, %swap3A_312] {strides = array<i32>} : memref<512x64xf32, #tpu.memory_space<vmem>>, vector<1x16xf32>,
        %swap3A_314 = vector.shape_cast %swap3A_313 : vector<1x16xf32> to vector<16xf32>
        %swap3A_315 = vector.shape_cast %mul3A_310 : vector<16xf32> to vector<1x16xf32>
        tpu.vector_store %arg7[%swap3A_311, %swap3A_312], %swap3A_315 {strides = array<i32>} : memref<512x64xf32, #tpu.memory_space<vmem>>, vector<1x16xf32>,
        %get3A_316 = arith.index_cast %scan3A_291 : i32 to index
        %get3A_317 = arith.constant 32 : index
        %get3A_318 = tpu.vector_load %arg7[%get3A_316, %get3A_317] {strides = array<i32>} : memref<512x64xf32, #tpu.memory_space<vmem>>, vector<1x16xf32>,
        %get3A_319 = vector.shape_cast %get3A_318 : vector<1x16xf32> to vector<16xf32>
        %mul3A_320 = arith.constant 8.000000e+00 : f32
        %mul3A_321 = vector.broadcast %mul3A_320 : f32 to vector<16xf32>
        %mul3A_322 = arith.mulf %get3A_319, %mul3A_321 : vector<16xf32>
        %swap3A_323 = arith.index_cast %scan3A_291 : i32 to index
        %swap3A_324 = arith.constant 32 : index
        %swap3A_325 = tpu.vector_load %arg7[%swap3A_323, %swap3A_324] {strides = array<i32>} : memref<512x64xf32, #tpu.memory_space<vmem>>, vector<1x16xf32>,
        %swap3A_326 = vector.shape_cast %swap3A_325 : vector<1x16xf32> to vector<16xf32>
        %swap3A_327 = vector.shape_cast %mul3A_322 : vector<16xf32> to vector<1x16xf32>
        tpu.vector_store %arg7[%swap3A_323, %swap3A_324], %swap3A_327 {strides = array<i32>} : memref<512x64xf32, #tpu.memory_space<vmem>>, vector<1x16xf32>,
        %get3A_328 = arith.index_cast %scan3A_291 : i32 to index
        %get3A_329 = arith.constant 48 : index
        %get3A_330 = tpu.vector_load %arg7[%get3A_328, %get3A_329] {strides = array<i32>} : memref<512x64xf32, #tpu.memory_space<vmem>>, vector<1x16xf32>,
        %get3A_331 = vector.shape_cast %get3A_330 : vector<1x16xf32> to vector<16xf32>
        %mul3A_332 = arith.constant 8.000000e+00 : f32
        %mul3A_333 = vector.broadcast %mul3A_332 : f32 to vector<16xf32>
        %mul3A_334 = arith.mulf %get3A_331, %mul3A_333 : vector<16xf32>
        %swap3A_335 = arith.index_cast %scan3A_291 : i32 to index
        %swap3A_336 = arith.constant 48 : index
        %swap3A_337 = tpu.vector_load %arg7[%swap3A_335, %swap3A_336] {strides = array<i32>} : memref<512x64xf32, #tpu.memory_space<vmem>>, vector<1x16xf32>,
        %swap3A_338 = vector.shape_cast %swap3A_337 : vector<1x16xf32> to vector<16xf32>
        %swap3A_339 = vector.shape_cast %mul3A_334 : vector<16xf32> to vector<1x16xf32>
        tpu.vector_store %arg7[%swap3A_335, %swap3A_336], %swap3A_339 {strides = array<i32>} : memref<512x64xf32, #tpu.memory_space<vmem>>, vector<1x16xf32>,
      }
      %scan3A_235 = arith.constant 128 : i32
      %mul3A_236 = arith.constant 512 : i32
      %mul3A_237 = arith.muli %add3A_152, %mul3A_236 : i32
      %add3A_238 = arith.addi %mul3A_2, %mul3A_237 : i32
      %dma_start3A_239 = arith.constant 0 : i32
      %dma_start3A_240 = tpu.memref_slice %arg4[%add3A_238, %dma_start3A_239] : memref<819200x64xf32, #tpu.memory_space<hbm>> -> memref<512x64xf32, #tpu.memory_space<hbm>>
      %dma_start3A_241 = arith.constant 0 : i32
      %dma_start3A_242 = tpu.memref_slice %arg4[%add3A_238, %dma_start3A_241] : memref<819200x64xf32, #tpu.memory_space<hbm>> -> memref<512x64xf32, #tpu.memory_space<hbm>>
      tpu.enqueue_dma source(%arg7 : memref<512x64xf32, #tpu.memory_space<vmem>>) target(%dma_start3A_242 : memref<512x64xf32, #tpu.memory_space<hbm>>) target_semaphore(%arg11 : memref<!tpu.dma_semaphore, #tpu.memory_space<semaphore_mem>>)
    }
    %scan3A_45 = arith.constant 25 : i32
    %add3A_46 = arith.constant 24576 : i32
    %add3A_47 = arith.addi %mul3A_2, %add3A_46 : i32
    %dma_wait3A = arith.constant 0 : i32
    %dma_wait3A_48 = tpu.memref_slice %arg4[%add3A_47, %dma_wait3A] : memref<819200x64xf32, #tpu.memory_space<hbm>> -> memref<512x64xf32, #tpu.memory_space<hbm>>
    %dma_wait3A_49 = arith.constant 0 : i32
    %dma_wait3A_50 = tpu.memref_slice %arg4[%add3A_47, %dma_wait3A_49] : memref<819200x64xf32, #tpu.memory_space<hbm>> -> memref<512x64xf32, #tpu.memory_space<hbm>>
    tpu.wait_dma2 semaphore(%arg10 : memref<!tpu.dma_semaphore, #tpu.memory_space<semaphore_mem>>) src(%arg6 : memref<512x64xf32, #tpu.memory_space<vmem>>) dst(%dma_wait3A_50 : memref<512x64xf32, #tpu.memory_space<hbm>>)
    %add3A_51 = arith.constant 25088 : i32
    %add3A_52 = arith.addi %mul3A_2, %add3A_51 : i32
    %dma_wait3A_53 = arith.constant 0 : i32
    %dma_wait3A_54 = tpu.memref_slice %arg4[%add3A_52, %dma_wait3A_53] : memref<819200x64xf32, #tpu.memory_space<hbm>> -> memref<512x64xf32, #tpu.memory_space<hbm>>
    %dma_wait3A_55 = arith.constant 0 : i32
    %dma_wait3A_56 = tpu.memref_slice %arg4[%add3A_52, %dma_wait3A_55] : memref<819200x64xf32, #tpu.memory_space<hbm>> -> memref<512x64xf32, #tpu.memory_space<hbm>>
    tpu.wait_dma2 semaphore(%arg11 : memref<!tpu.dma_semaphore, #tpu.memory_space<semaphore_mem>>) src(%arg7 : memref<512x64xf32, #tpu.memory_space<vmem>>) dst(%dma_wait3A_56 : memref<512x64xf32, #tpu.memory_space<hbm>>)
    return
  }
}

</mosaic_0001>

<sc_bundles>
// kernel: kernel.3.cloned.1.call-start
scs
__scs_entry_jumppad:
0x0: {  	(pc) =	sbr.rel $0x88, $3  }
0x1: {  	(tag) =	ssettag $0x0;
	lr =	simm.s32 $0x1  }
0x2: {  	[smem:$0x3F9F] =	sst lr;
	_ =	strace $0xD0000000  }
0x3: {  	_ = 	snop  }
0x4: {  	_ = 	snop  }
0x5: {  	_ = 	snop  }
0x6: {  	_ = 	snop  }
0x7: {  	_ = 	snop  }
__scs_overlays_trampoline_lowered:
0x8: {  	[smem:$0x3FAE] =	sst s0  }
0x9: {  	[smem:$0x3FAF] =	sst s1  }
0xa: {  	[smem:$0x3FB0] =	sst s2  }
0xb: {  	[smem:$0x3FB1] =	sst s3  }
0xc: {  	[smem:$0x3FB2] =	sst s4  }
0xd: {  	[smem:$0x3FB3] =	sst s5  }
0xe: {  	[smem:$0x3FB4] =	sst s6  }
0xf: {  	[smem:$0x3FB5] =	sst s7  }
0x10: {  	[smem:$0x3FB6] =	sst s8  }
0x11: {  	[smem:$0x3FB7] =	sst s9;
	s0 =	simm.s32 @!p0 $0x0  }
0x12: {  	s1 =	sld [smem:$0x3F9D];
	s0 =	simm.s32 @p0 $0x1  }
0x13: {  	[smem:$0x3FB8] =	sst s0;
	s0 =	simm.s32 @!p1 $0x0  }
0x14: {  	s2 =	sld [smem:$0x3F9C];
	s0 =	simm.s32 @p1 $0x1  }
0x15: {  	[smem:$0x3FB9] =	sst s0;
	s0 =	simm.s32 @!p2 $0x0  }
0x16: {  	s3 =	sld [smem:$0x3FDB];
	s0 =	simm.s32 @p2 $0x1  }
0x17: {  	s4 =	simm.s32 $0x1BF5;
	[smem:$0x3FBB] =	sst s0  }
0x18: {  	s0 =	sld [smem:$0x3F9E];
	_ =	swait.ge [sflag:s4], $0x0  }
0x19: {  	s7 =	sld [smem:$0x3F9F]  }
0x1a: {  	s8 =	sadd.s32 $0xFFFFE003, lr  }
0x1b: {  	s9 =	sadd.s32 $0xFFFFFEF7, lr;
	s5 =	simm.s32 $0xFFFFFFFF;
	p2 =	slt.u32 s8, $0xFFFFF086  }
0x1c: {  	p1 =	slt.u32 s9, $0xF7A;
	s5 =	simm.s32 @!p2 $0x0  }
0x1d: {  	s5 =	simm.s32 @p1 $0x1;
	p0 =	seq.s32 s7, s2  }
0x1e: {  	s7 =	smul.u32 @!p0 $0xF7A, s2;
	p2 =	seq.s32 @!p0 s5, $0x0  }
0x1f: {  	s9 =	smul.u32 $0xF7A, s1;
	s8 =	simm.s32 @!p0 $0x1BF5;
	p2 =	por !p2, p0  }
0x20: {  	[sflag:s8] =	ssyncset.s32 @!p0 $0xFFFFF086;
	s6 =	sadd.s32 @!p0 s3, s7;
	s7 =	simm.s32 @!p0 $0x108  }
0x21: {  	s3 =	sadd.s32 s3, s9;
	s6 =	sadd.s32 @!p0 $0x88, s6;
	s7 =	simm.s32 @p2 $0x1082  }
0x22: {  	[simem:s7], [sflag:s8] =	dma.local @!p0 [hbm:s6], $0xF7A  }
0x23: {  	s9 =	sor.u32 $0xD0000000, s2;
	s6 =	simm.s32 $0x108;
	_ =	swait.ge @!p0 [sflag:s8], $0x0  }
0x24: {  	s3 =	sadd.s32 $0x88, s3;
	s6 =	simm.s32 @!p1 $0x1082;
	[sflag:s4] =	ssyncset.s32 $0xFFFFF086  }
0x25: {  	[simem:s6], [sflag:s4] =	dma.local [hbm:s3], $0xF7A  }
0x26: {  	[smem:$0x3F9F] =	sst s1;
	(tag) =	ssettag s2;
	_ =	strace s9  }
0x27: {  	s1 =	sld [smem:$0x3FAF]  }
0x28: {  	s2 =	sld [smem:$0x3FB0]  }
0x29: {  	s4 =	sld [smem:$0x3FB2]  }
0x2a: {  	p0 =	seq.s32 s5, $0x0;
	s5 =	sld [smem:$0x3FB3]  }
0x2b: {  	s6 =	sld [smem:$0x3FB4]  }
0x2c: {  	s7 =	sld [smem:$0x3FB5]  }
0x2d: {  	s3 =	simm.s32 $0x108;
	s8 =	sld [smem:$0x3FB6]  }
0x2e: {  	s3 =	simm.s32 @!p0 $0x1082;
	s9 =	sld [smem:$0x3FB7]  }
0x2f: {  	lr =	sadd.s32 s0, s3;
	s0 =	sld [smem:$0x3FAE]  }
0x30: {  	s3 =	sld [smem:$0x3FB1]  }
0x31: {  	[smem:$0x3FBA] =	sst s10  }
0x32: {  	s10 =	sld [smem:$0x3FB8];
	_ =	sdelay $0x3  }
0x33: {  	p0 =	seq.s32 s10, $0x1;
	s10 =	sld [smem:$0x3FBA];
	_ =	sdelay $0x3  }
0x34: {  	[smem:$0x3FBA] =	sst s10  }
0x35: {  	s10 =	sld [smem:$0x3FB9];
	_ =	sdelay $0x3  }
0x36: {  	p1 =	seq.s32 s10, $0x1;
	s10 =	sld [smem:$0x3FBA];
	_ =	sdelay $0x3  }
0x37: {  	[smem:$0x3FBA] =	sst s10  }
0x38: {  	s10 =	sld [smem:$0x3FBB]  }
0x39: {  	_ = 	snop;
	(pc) =	sbr.ind lr, $3  }
0x3a: {  	_ = 	snop  }
0x3b: {  	_ = 	snop  }
0x3c: {  	p2 =	seq.s32 s10, $0x1;
	s10 =	sld [smem:$0x3FBA]  }
0x3d: {  	_ =	shalt  }
0x3e: {  	_ =	shalt  }
0x3f: {  	_ =	shalt  }
0x40: {  	_ =	shalt  }
0x41: {  	_ =	shalt  }
0x42: {  	_ =	shalt  }
0x43: {  	_ =	shalt  }
0x44: {  	_ =	shalt  }
0x45: {  	_ =	shalt  }
0x46: {  	_ =	shalt  }
0x47: {  	_ =	shalt  }
0x48: {  	_ =	shalt  }
0x49: {  	_ =	shalt  }
0x4a: {  	_ =	shalt  }
0x4b: {  	_ =	shalt  }
0x4c: {  	_ =	shalt  }
0x4d: {  	_ =	shalt  }
0x4e: {  	_ =	shalt  }
0x4f: {  	_ =	shalt  }
0x50: {  	_ =	shalt  }
0x51: {  	_ =	shalt  }
0x52: {  	_ =	shalt  }
0x53: {  	_ =	shalt  }
0x54: {  	_ =	shalt  }
0x55: {  	_ =	shalt  }
0x56: {  	_ =	shalt  }
0x57: {  	_ =	shalt  }
0x58: {  	_ =	shalt  }
0x59: {  	_ =	shalt  }
0x5a: {  	_ =	shalt  }
0x5b: {  	_ =	shalt  }
0x5c: {  	_ =	shalt  }
0x5d: {  	_ =	shalt  }
0x5e: {  	_ =	shalt  }
0x5f: {  	_ =	shalt  }
0x60: {  	_ =	shalt  }
0x61: {  	_ =	shalt  }
0x62: {  	_ =	shalt  }
0x63: {  	_ =	shalt  }
0x64: {  	_ =	shalt  }
0x65: {  	_ =	shalt  }
0x66: {  	_ =	shalt  }
0x67: {  	_ =	shalt  }
0x68: {  	_ =	shalt  }
0x69: {  	_ =	shalt  }
0x6a: {  	_ =	shalt  }
0x6b: {  	_ =	shalt  }
0x6c: {  	_ =	shalt  }
0x6d: {  	_ =	shalt  }
0x6e: {  	_ =	shalt  }
0x6f: {  	_ =	shalt  }
0x70: {  	_ =	shalt  }
0x71: {  	_ =	shalt  }
0x72: {  	_ =	shalt  }
0x73: {  	_ =	shalt  }
0x74: {  	_ =	shalt  }
0x75: {  	_ =	shalt  }
0x76: {  	_ =	shalt  }
0x77: {  	_ =	shalt  }
0x78: {  	_ =	shalt  }
0x79: {  	_ =	shalt  }
0x7a: {  	_ =	shalt  }
0x7b: {  	_ =	shalt  }
0x7c: {  	_ =	shalt  }
0x7d: {  	_ =	shalt  }
0x7e: {  	_ =	shalt  }
0x7f: {  	_ =	shalt  }
0x80: {  	_ =	shalt  }
0x81: {  	_ =	shalt  }
0x82: {  	_ =	shalt  }
0x83: {  	_ =	shalt  }
0x84: {  	_ =	shalt  }
0x85: {  	_ =	shalt  }
0x86: {  	_ =	shalt  }
0x87: {  	_ =	shalt  }
.Lfunc_end0:
.L_simem_size_0:
called_computation.1_lowered:
.L_overlay_start_0:
0x88: {  	s2 =	sld [smem:$0x3FD9]  }
0x89: {  	s3 =	sld [smem:$0x3FFE];
	_ =	sdelay $0x1  }
0x8a: {  	s1 =	srdreg.scid  }
0x8b: {  	s0 =	sand.u32 $0x1, s1  }
0x8c: {  	s17 =	sshll.u32 s0, $0xA;
	s2 =	sadd.s32 s3, s2  }
0x8d: {  	s2 =	sadd.s32 s2, s17  }
0x8e: {  	[smem:$0x3FC6] =	sst s2  }
0x8f: {  	_ = 	snop  }
0x90: {  	s2 =	sld [smem:$0x3FD0];
	(tm) =	ssettm $0x1  }
0x91: {  	s18 =	sld [smem:$0x3FFB];
	_ =	sdelay $0x3  }
0x92: {  	_ =	strace s18  }
0x93: {  	s3 =	sld [smem:$0x3FFC];
	_ =	sdelay $0x3  }
0x94: {  	_ =	strace s3  }
0x95: {  	s3 =	sld [smem:$0x3FFD];
	_ =	sdelay $0x3  }
0x96: {  	_ =	strace s3  }
0x97: {  	_ =	strace $0x8FFFFFFF  }
0x98: {  	s19 =	sld [smem:$0x3FDB];
	_ =	sdelay $0x1  }
0x99: {  	s4 =	simm.s32 $_scs_section_size  }
0x9a: {  	s5 =	simm.s32 $_size__tile_overlayer_lowered;
	s6 =	simm.s32 $_tile_overlayer_lowered  }
0x9b: {  	s22 =	simm.s32 $0x1BFF;
	s21 =	sshll.u32 s6, $0x1;
	s3 =	sadd.s32 s4, s19  }
0x9c: {  	s7 =	simm.s32 $0x0;
	s20 =	sshll.u32 s5, $0x1;
	s5 =	sadd.s32 s21, s3  }
0x9d: {  	[timem:s7], [sflag:s22] =	dma.local [hbm:s5], s20  }
0x9e: {  	_ =	swait.ge [sflag:s22], s20  }
0x9f: {  	s4 =	ssub.s32 $0x0, s20;
	[sflag:s22] =	ssyncset.done $0x0  }
0xa0: {  	[sflag:s22] =	ssyncadd.s32 s4;
	_ =	sdelay $0x1  }
0xa1: {  	s23 =	simm.s32 $0x1B8B  }
0xa2: {  	_ =	swait.ge [sflag:s23], $0x1  }
0xa3: {  	[sflag:s23] =	ssyncset.done $0x0  }
0xa4: {  	s25 =	simm.s32 $0x1B8E;
	s24 =	sld [smem:$0x3FFE];
	[sflag:s23] =	ssyncadd.s32 $0xFFFFFFFF  }
0xa5: {  	s26 =	simm.s32 $execute0_lowered;
	[smem:$0x3FD2] =	sst s25  }
0xa6: {  	s5 =	sshll.u32 s26, $0x1;
	_ =	strace $0x80000046;
	[dreg:$0x1] =	wrdreg $0xFFFFFFFF  }
0xa7: {  	s28 =	simm.s32 $_size_execute0_lowered;
	s3 =	sadd.s32 s3, s5;
	[dreg:$0x0] =	wrdreg $0x0  }
0xa8: {  	s5 =	sshll.u32 s28, $0x1;
	[dreg:$0x2] =	wrdreg s3  }
0xa9: {  	[dreg:$0x3] =	wrdreg s5  }
0xaa: {  	[dreg:$0x4] =	wrdreg $0xC0  }
0xab: {  	_ =	task [dreg:s7], $0x5FFFF  }
0xac: {  	[dreg:$0x1] =	wrdreg $0xFFFFFFFF  }
0xad: {  	[dreg:$0x0] =	wrdreg $0x60  }
0xae: {  	[dreg:$0x2] =	wrdreg s24  }
0xaf: {  	[dreg:$0x3] =	wrdreg s2  }
0xb0: {  	[dreg:$0x4] =	wrdreg $0x9  }
0xb1: {  	_ =	task.clear_ibuf [dreg:s7], $0x5FFFF;
	_ =	strace $0x90000046  }
0xb2: {  	s29 =	simm.s32 $0x9;
	_ =	strace $0x80000048  }
0xb3: {  	_ =	swait.ge [sflag:s29], $0x1  }
0xb4: {  	[sflag:s29] =	ssyncadd.s32 $0xFFFFFFFF  }
0xb5: {  	_ =	strace $0x90000048  }
0xb6: {  	_ =	sfence  }
0xb7: {  	s30 =	sld [smem:$0x0];
	_ =	sdelay $0x2  }
0xb8: {  	s31 =	sshll.u32 s1, $0xD;
	s1 =	sshrl.u32 s1, $0x2  }
0xb9: {  	s3 =	sand.u32 $0x4000, s31;
	s1 =	sadd.s32 s1, s30  }
0xba: {  	s0 =	sor.u32 s3, s0;
	s1 =	sshll.u32 s1, $0x11  }
0xbb: {  	s0 =	sor.u32 s1, s0  }
0xbc: {  	s0 =	sadd.s32 $0x8F2B, s0  }
0xbd: {  	[sflag:s0] =	ssyncadd.remote.s32 $0x1  }
0xbe: {  	_ =	sfence.sel $0xFFFF  }
0xbf: {  	[dreg:$0x0] =	wrdreg $0xFFFFFFFF;
	(pc) =	sbr.abs _section_cstart, $3  }
0xc0: {  	[dreg:$0x1] =	wrdreg $0xFFFFFFFF  }
0xc1: {  	_ =	task.clear_ibuf [dreg:s7], $0x2FFFF;
	_ =	strace $0x9FFFFFFF  }
0xc2: {  	(tm) =	ssettm $0x7FFFFFFF  }
0xc3: {  	_ =	shalt  }
tec
execute0_lowered:
.L_overlay_start_1:
0x0: {  	(tag) =	ssettag $0x1  }
0x1: {  	s4 =	rddreg [dreg:$0x0];
	s1 =	srdreg.scid  }
0x2: {  	s0 =	stileid.u32;
	s2 =	rddreg [dreg:$0x1]  }
0x3: {  	s3 =	simm.s32 $0x0;
	s9 =	simm.s32 $0x80;
	s10 =	simm.s32 $0x6400  }
0x4: {  	s11 =	simm.s32 $0x8400;
	s12 =	simm.s32 $0x100;
	s13 =	simm.s32 $0xA400  }
0x5: {  	s14 =	simm.s32 $0x180;
	s15 =	simm.s32 $0xC400;
	s16 =	simm.s32 $0xE400  }
0x6: {  	s17 =	simm.s32 $0x10400;
	s18 =	simm.s32 $0x12400;
	s19 =	simm.s32 $0x14400  }
0x7: {  	s20 =	simm.s32 $0x1;
	s21 =	simm.s32 $0x2;
	s22 =	simm.s32 $0x3  }
0x8: {  	s23 =	simm.s32 $0x4;
	s5 =	sand.u32 $0x1, s1;
	s6 =	sshll.u32 s0, $0x1  }
0x9: {  	s24 =	simm.s32 $0x0;
	s1 =	rddreg [dreg:$0x2];
	s6 =	sor.u32 s5, s6  }
0xa: {  	[smem:$0x7FF] =	sst s3;
	s5 =	ssub.s32 $0x2, s5;
	s7 =	smul.u32 $0xC80, s6  }
0xb: {  	_ =	strace $0x80000047;
	s8 =	sshrl.u32 s5, $0x1;
	s6 =	smul.u32 $0x190000, s6  }
0xc: {  	s8 =	ssub.s32 s5, s8;
	s7 =	sadd.s32 s7, s4;
	s4 =	sadd.s32 $0xF42E00, s4  }
0xd: {  	s5 =	sadd.s32 $0xA00, s7;
	s7 =	smax.u32 s8, $0x1;
	s8 =	simm.s32 $0x5  }
.LBB2_1:
0xe: {  	[tilespmem:s3], [sflag:$0x5] =	stream.linear.gather [hbm4b:s5+s3], $0x6400, $0x38;
	[tilespmem:$0x16400] =	vst v63  }
0xf: {  	_ =	swait.ge [sflag:s8], $0x6400  }
0x10: {  	[sflag:s8] =	ssyncset.done $0x0  }
0x11: {  	[sflag:s8] =	ssyncadd.s32 $0xFFFF9C00  }
0x12: {  	[tilespmem:s10], [sflag:$0x1] =	stream.indirect.gather [hbm4b:s4+s9], $0x40, s3, s9, $0xb8;
	[tilespmem:$0x16400] =	vst v63  }
0x13: {  	_ = 	snop  }
0x14: {  	[tilespmem:s11], [sflag:$0x1] =	stream.indirect.gather [hbm4b:s4+s9], $0x40, s9, s9, $0xb8;
	[tilespmem:$0x16400] =	vst v63  }
0x15: {  	_ = 	snop  }
0x16: {  	[tilespmem:s13], [sflag:$0x1] =	stream.indirect.gather [hbm4b:s4+s9], $0x40, s12, s9, $0xb8;
	[tilespmem:$0x16400] =	vst v63  }
0x17: {  	s25 =	simm.s32 $0x0  }
0x18: {  	[tilespmem:s15], [sflag:$0x1] =	stream.indirect.gather [hbm4b:s4+s9], $0x40, s14, s9, $0xb8;
	[tilespmem:$0x16400] =	vst v63  }
.LBB2_2:
0x19: {  	p0 =	seq.s32 s25, $0x0  }
0x1a: {  	s28 =	simm.s32 @!p0 $0x4  }
0x1b: {  	s26 =	sshllo.u32 s25, $0x1;
	_ =	swait.ge @!p0 [sflag:s28], $0x8000  }
0x1c: {  	s29 =	sshll.u32 s26, $0x9;
	[sflag:s28] =	ssyncset.done @!p0 $0x0  }
0x1d: {  	[sflag:s28] =	ssyncadd.s32 @!p0 $0xFFFF8000;
	s28 =	sand.u32 $0x3FFFFE00, s29  }
0x1e: {  	[tilespmem:s16], [sflag:$0x2] =	stream.indirect.gather [hbm4b:s4+s9], $0x40, s28, s9, $0xb8;
	[tilespmem:$0x16400] =	vst v63  }
0x1f: {  	s29 =	sor.u32 $0x80, s28  }
0x20: {  	[tilespmem:s17], [sflag:$0x2] =	stream.indirect.gather [hbm4b:s4+s9], $0x40, s29, s9, $0xb8;
	[tilespmem:$0x16400] =	vst v63  }
0x21: {  	s29 =	sor.u32 $0x100, s28  }
0x22: {  	[tilespmem:s18], [sflag:$0x2] =	stream.indirect.gather [hbm4b:s4+s9], $0x40, s29, s9, $0xb8;
	[tilespmem:$0x16400] =	vst v63  }
0x23: {  	s28 =	sor.u32 $0x180, s28  }
0x24: {  	[tilespmem:s19], [sflag:$0x2] =	stream.indirect.gather [hbm4b:s4+s9], $0x40, s28, s9, $0xb8;
	[tilespmem:$0x16400] =	vst v63  }
0x25: {  	_ =	swait.ge [sflag:s20], $0x2000  }
0x26: {  	[sflag:s20] =	ssyncset.done $0x0  }
0x27: {  	s28 =	simm.s32 $0x6440;
	[sflag:s20] =	ssyncadd.s32 $0xFFFFE000  }
0x28: {  	v1 =	vld [tilespmem:s28+$0xFFFFFFC0];
	_ =	sdelay $0x1  }
0x29: {  	v4 =	vld [tilespmem:s28+$0xFFFFFFD0]  }
0x2a: {  	v6 =	vld [tilespmem:s28+$0xFFFFFFE0]  }
0x2b: {  	v2 =	vld [tilespmem:s28+$0x0]  }
0x2c: {  	v0 =	vld [tilespmem:s28+$0x10];
	v5 =	vmul.f32 $8.000000000e+00, v1  }
0x2d: {  	v3 =	vld [tilespmem:s28+$0x20]  }
0x2e: {  	v1 =	vld [tilespmem:s28+$0x30];
	[tilespmem:s28+$0xFFFFFFC0] =	vst v5;
	v5 =	vmul.f32 $8.000000000e+00, v4  }
0x2f: {  	s30 =	simm.s32 $0x64C0;
	s29 =	simm.s32 $0x0;
	v6 =	vmul.f32 $8.000000000e+00, v6;
	v4 =	vld [tilespmem:s28+$0xFFFFFFF0]  }
.LBB2_3:
0x30: {  	v7 =	vld [tilespmem:s30+$0xFFFFFFC0];
	[tilespmem:s28+$0xFFFFFFD0] =	vst v5;
	v2 =	vmul.f32 $8.000000000e+00, v2  }
0x31: {  	s29 =	sadd.s32 $0x2, s29;
	v5 =	vld [tilespmem:s30+$0xFFFFFFD0];
	[tilespmem:s28+$0xFFFFFFE0] =	vst v6;
	v0 =	vmul.f32 $8.000000000e+00, v0  }
0x32: {  	p0 =	slt.u32 s29, $0x7E;
	v6 =	vld [tilespmem:s30+$0xFFFFFFE0];
	[tilespmem:s28+$0x0] =	vst v2;
	v3 =	vmul.f32 $8.000000000e+00, v3  }
.Ltmp0:
0x33: {  	v2 =	vld [tilespmem:s30+$0x0];
	[tilespmem:s28+$0x10] =	vst v0;
	v1 =	vmul.f32 $8.000000000e+00, v1;
	(pc) =	sbr.rel @p0 .LBB2_3-.Ltmp0, $4  }
0x34: {  	v0 =	vld [tilespmem:s30+$0x10];
	v4 =	vmul.f32 $8.000000000e+00, v4;
	[tilespmem:s28+$0x20] =	vst v3  }
0x35: {  	v7 =	vmul.f32 $8.000000000e+00, v7;
	v3 =	vld [tilespmem:s30+$0x20];
	[tilespmem:s28+$0x30] =	vst v1  }
0x36: {  	v5 =	vmul.f32 $8.000000000e+00, v5;
	v1 =	vld [tilespmem:s30+$0x30];
	[tilespmem:s28+$0xFFFFFFF0] =	vst v4;
	s28 =	smov.u32 s30  }
0x37: {  	s30 =	sadd.s32 $0x80, s30;
	[tilespmem:s28+$0xFFFFFFC0] =	vst v7;
	v6 =	vmul.f32 $8.000000000e+00, v6;
	v4 =	vld [tilespmem:s28+$0xFFFFFFF0]  }
0x38: {  	[tilespmem:s28+$0xFFFFFFD0] =	vst v5;
	v2 =	vmul.f32 $8.000000000e+00, v2  }
0x39: {  	[tilespmem:s28+$0xFFFFFFE0] =	vst v6;
	v0 =	vmul.f32 $8.000000000e+00, v0  }
0x3a: {  	[tilespmem:s28+$0x0] =	vst v2;
	v2 =	vmul.f32 $8.000000000e+00, v3  }
0x3b: {  	[tilespmem:s28+$0x10] =	vst v0;
	v0 =	vmul.f32 $8.000000000e+00, v1  }
0x3c: {  	v1 =	vmul.f32 $8.000000000e+00, v4;
	[tilespmem:s28+$0x20] =	vst v2  }
0x3d: {  	[tilespmem:s28+$0x30] =	vst v0  }
0x3e: {  	[tilespmem:s28+$0xFFFFFFF0] =	vst v1  }
0x3f: {  	_ =	swait.ge [sflag:s20], $0x2000  }
0x40: {  	[sflag:s20] =	ssyncset.done $0x0  }
0x41: {  	s28 =	simm.s32 $0x8470;
	[sflag:s20] =	ssyncadd.s32 $0xFFFFE000  }
0x42: {  	v1 =	vld [tilespmem:s28+$0xFFFFFF90]  }
0x43: {  	v4 =	vld [tilespmem:s28+$0xFFFFFFA0]  }
0x44: {  	v6 =	vld [tilespmem:s28+$0xFFFFFFB0]  }
0x45: {  	v2 =	vld [tilespmem:s28+$0xFFFFFFC0]  }
0x46: {  	v0 =	vld [tilespmem:s28+$0xFFFFFFD0]  }
0x47: {  	v3 =	vld [tilespmem:s28+$0xFFFFFFE0];
	v7 =	vmul.f32 $8.000000000e+00, v1  }
0x48: {  	v1 =	vld [tilespmem:s28+$0x0];
	v5 =	vmul.f32 $8.000000000e+00, v4  }
0x49: {  	s29 =	simm.s32 $0x80;
	s30 =	simm.s32 $0x84F0;
	v6 =	vmul.f32 $8.000000000e+00, v6;
	v4 =	vld [tilespmem:s28+$0xFFFFFFF0];
	[tilespmem:s28+$0xFFFFFF90] =	vst v7  }
.LBB2_5:
0x4a: {  	v7 =	vld [tilespmem:s30+$0xFFFFFF90];
	[tilespmem:s28+$0xFFFFFFA0] =	vst v5;
	v2 =	vmul.f32 $8.000000000e+00, v2  }
0x4b: {  	s29 =	sadd.s32 $0x2, s29;
	v5 =	vld [tilespmem:s30+$0xFFFFFFA0];
	[tilespmem:s28+$0xFFFFFFB0] =	vst v6;
	v0 =	vmul.f32 $8.000000000e+00, v0  }
0x4c: {  	p0 =	slt.u32 s29, $0xFE;
	v6 =	vld [tilespmem:s30+$0xFFFFFFB0];
	[tilespmem:s28+$0xFFFFFFC0] =	vst v2;
	v3 =	vmul.f32 $8.000000000e+00, v3  }
.Ltmp1:
0x4d: {  	v2 =	vld [tilespmem:s30+$0xFFFFFFC0];
	[tilespmem:s28+$0xFFFFFFD0] =	vst v0;
	v1 =	vmul.f32 $8.000000000e+00, v1;
	(pc) =	sbr.rel @p0 .LBB2_5-.Ltmp1, $4  }
0x4e: {  	v0 =	vld [tilespmem:s30+$0xFFFFFFD0];
	[tilespmem:s28+$0xFFFFFFE0] =	vst v3;
	v4 =	vmul.f32 $8.000000000e+00, v4  }
0x4f: {  	v7 =	vmul.f32 $8.000000000e+00, v7;
	v3 =	vld [tilespmem:s30+$0xFFFFFFE0];
	[tilespmem:s28+$0x0] =	vst v1  }
0x50: {  	v5 =	vmul.f32 $8.000000000e+00, v5;
	v1 =	vld [tilespmem:s30+$0x0];
	[tilespmem:s28+$0xFFFFFFF0] =	vst v4;
	s28 =	smov.u32 s30  }
0x51: {  	s30 =	sadd.s32 $0x80, s30;
	[tilespmem:s28+$0xFFFFFF90] =	vst v7;
	v6 =	vmul.f32 $8.000000000e+00, v6;
	v4 =	vld [tilespmem:s28+$0xFFFFFFF0]  }
0x52: {  	[tilespmem:s28+$0xFFFFFFA0] =	vst v5;
	v2 =	vmul.f32 $8.000000000e+00, v2  }
0x53: {  	[tilespmem:s28+$0xFFFFFFB0] =	vst v6;
	v0 =	vmul.f32 $8.000000000e+00, v0  }
0x54: {  	[tilespmem:s28+$0xFFFFFFC0] =	vst v2;
	v2 =	vmul.f32 $8.000000000e+00, v3  }
0x55: {  	[tilespmem:s28+$0xFFFFFFD0] =	vst v0;
	v0 =	vmul.f32 $8.000000000e+00, v1  }
0x56: {  	[tilespmem:s28+$0xFFFFFFE0] =	vst v2;
	v1 =	vmul.f32 $8.000000000e+00, v4  }
0x57: {  	[tilespmem:s28+$0x0] =	vst v0  }
0x58: {  	[tilespmem:s28+$0xFFFFFFF0] =	vst v1  }
0x59: {  	_ =	swait.ge [sflag:s20], $0x2000  }
0x5a: {  	[sflag:s20] =	ssyncset.done $0x0  }
0x5b: {  	s28 =	simm.s32 $0xA400;
	[sflag:s20] =	ssyncadd.s32 $0xFFFFE000  }
0x5c: {  	v0 =	vld [tilespmem:s28+$0x20]  }
0x5d: {  	v5 =	vld [tilespmem:s28+$0x0]  }
0x5e: {  	v6 =	vld [tilespmem:s28+$0x70]  }
0x5f: {  	v4 =	vld [tilespmem:s28+$0x60]  }
0x60: {  	v1 =	vld [tilespmem:s28+$0x50]  }
0x61: {  	v2 =	vld [tilespmem:s28+$0x40];
	v7 =	vmul.f32 $8.000000000e+00, v0  }
0x62: {  	v3 =	vld [tilespmem:s28+$0x30];
	v5 =	vmul.f32 $8.000000000e+00, v5  }
0x63: {  	s29 =	simm.s32 $0x100;
	s30 =	simm.s32 $0xA480;
	v0 =	vld [tilespmem:s28+$0x10];
	v6 =	vmul.f32 $8.000000000e+00, v6;
	[tilespmem:s28+$0x20] =	vst v7  }
.LBB2_7:
0x64: {  	v7 =	vld [tilespmem:s30+$0x20];
	s29 =	sadd.s32 $0x2, s29;
	[tilespmem:s28+$0x0] =	vst v5;
	v4 =	vmul.f32 $8.000000000e+00, v4  }
0x65: {  	v5 =	vld [tilespmem:s30+$0x0];
	p0 =	slt.u32 s29, $0x17E;
	v1 =	vmul.f32 $8.000000000e+00, v1;
	[tilespmem:s28+$0x70] =	vst v6  }
0x66: {  	v6 =	vld [tilespmem:s30+$0x70];
	v2 =	vmul.f32 $8.000000000e+00, v2;
	[tilespmem:s28+$0x60] =	vst v4  }
.Ltmp2:
0x67: {  	v4 =	vld [tilespmem:s30+$0x60];
	v3 =	vmul.f32 $8.000000000e+00, v3;
	[tilespmem:s28+$0x50] =	vst v1;
	(pc) =	sbr.rel @p0 .LBB2_7-.Ltmp2, $4  }
0x68: {  	v1 =	vld [tilespmem:s30+$0x50];
	v0 =	vmul.f32 $8.000000000e+00, v0;
	[tilespmem:s28+$0x40] =	vst v2  }
0x69: {  	v7 =	vmul.f32 $8.000000000e+00, v7;
	v2 =	vld [tilespmem:s30+$0x40];
	[tilespmem:s28+$0x30] =	vst v3  }
0x6a: {  	v5 =	vmul.f32 $8.000000000e+00, v5;
	v3 =	vld [tilespmem:s30+$0x30];
	[tilespmem:s28+$0x10] =	vst v0;
	s28 =	smov.u32 s30  }
0x6b: {  	s30 =	sadd.s32 $0x80, s30;
	v0 =	vld [tilespmem:s28+$0x10];
	[tilespmem:s28+$0x20] =	vst v7;
	v6 =	vmul.f32 $8.000000000e+00, v6  }
0x6c: {  	[tilespmem:s28+$0x0] =	vst v5;
	v4 =	vmul.f32 $8.000000000e+00, v4  }
0x6d: {  	v1 =	vmul.f32 $8.000000000e+00, v1;
	[tilespmem:s28+$0x70] =	vst v6  }
0x6e: {  	v2 =	vmul.f32 $8.000000000e+00, v2;
	[tilespmem:s28+$0x60] =	vst v4  }
0x6f: {  	v3 =	vmul.f32 $8.000000000e+00, v3;
	[tilespmem:s28+$0x50] =	vst v1  }
0x70: {  	v0 =	vmul.f32 $8.000000000e+00, v0;
	[tilespmem:s28+$0x40] =	vst v2  }
0x71: {  	[tilespmem:s28+$0x30] =	vst v3  }
0x72: {  	[tilespmem:s28+$0x10] =	vst v0  }
0x73: {  	_ =	swait.ge [sflag:s20], $0x2000  }
0x74: {  	[sflag:s20] =	ssyncset.done $0x0  }
0x75: {  	s28 =	simm.s32 $0xC400;
	[sflag:s20] =	ssyncadd.s32 $0xFFFFE000  }
0x76: {  	v0 =	vld [tilespmem:s28+$0x20]  }
0x77: {  	v5 =	vld [tilespmem:s28+$0x0]  }
0x78: {  	v6 =	vld [tilespmem:s28+$0x70]  }
0x79: {  	v4 =	vld [tilespmem:s28+$0x60]  }
0x7a: {  	v1 =	vld [tilespmem:s28+$0x50]  }
0x7b: {  	v2 =	vld [tilespmem:s28+$0x40];
	v7 =	vmul.f32 $8.000000000e+00, v0  }
0x7c: {  	v3 =	vld [tilespmem:s28+$0x30];
	v5 =	vmul.f32 $8.000000000e+00, v5  }
0x7d: {  	s29 =	simm.s32 $0x180;
	s30 =	simm.s32 $0xC480;
	v0 =	vld [tilespmem:s28+$0x10];
	v6 =	vmul.f32 $8.000000000e+00, v6;
	[tilespmem:s28+$0x20] =	vst v7  }
.LBB2_9:
0x7e: {  	v7 =	vld [tilespmem:s30+$0x20];
	s29 =	sadd.s32 $0x2, s29;
	[tilespmem:s28+$0x0] =	vst v5;
	v4 =	vmul.f32 $8.000000000e+00, v4  }
0x7f: {  	v5 =	vld [tilespmem:s30+$0x0];
	p0 =	slt.u32 s29, $0x1FE;
	v1 =	vmul.f32 $8.000000000e+00, v1;
	[tilespmem:s28+$0x70] =	vst v6  }
0x80: {  	v6 =	vld [tilespmem:s30+$0x70];
	v2 =	vmul.f32 $8.000000000e+00, v2;
	[tilespmem:s28+$0x60] =	vst v4  }
.Ltmp3:
0x81: {  	v4 =	vld [tilespmem:s30+$0x60];
	v3 =	vmul.f32 $8.000000000e+00, v3;
	[tilespmem:s28+$0x50] =	vst v1;
	(pc) =	sbr.rel @p0 .LBB2_9-.Ltmp3, $4  }
0x82: {  	v1 =	vld [tilespmem:s30+$0x50];
	v0 =	vmul.f32 $8.000000000e+00, v0;
	[tilespmem:s28+$0x40] =	vst v2  }
0x83: {  	v7 =	vmul.f32 $8.000000000e+00, v7;
	v2 =	vld [tilespmem:s30+$0x40];
	[tilespmem:s28+$0x30] =	vst v3  }
0x84: {  	v5 =	vmul.f32 $8.000000000e+00, v5;
	v3 =	vld [tilespmem:s30+$0x30];
	[tilespmem:s28+$0x10] =	vst v0;
	s28 =	smov.u32 s30  }
0x85: {  	s30 =	sadd.s32 $0x80, s30;
	v0 =	vld [tilespmem:s28+$0x10];
	[tilespmem:s28+$0x20] =	vst v7;
	v6 =	vmul.f32 $8.000000000e+00, v6  }
0x86: {  	[tilespmem:s28+$0x0] =	vst v5;
	v4 =	vmul.f32 $8.000000000e+00, v4  }
0x87: {  	v1 =	vmul.f32 $8.000000000e+00, v1;
	[tilespmem:s28+$0x70] =	vst v6  }
0x88: {  	v2 =	vmul.f32 $8.000000000e+00, v2;
	[tilespmem:s28+$0x60] =	vst v4  }
0x89: {  	s29 =	sshll.u32 s25, $0x10;
	v3 =	vmul.f32 $8.000000000e+00, v3;
	[tilespmem:s28+$0x50] =	vst v1  }
0x8a: {  	s29 =	sadd.s32 s6, s29;
	v0 =	vmul.f32 $8.000000000e+00, v0;
	[tilespmem:s28+$0x40] =	vst v2  }
0x8b: {  	s29 =	sshrl.u32 s29, $0x3;
	[tilespmem:s28+$0x30] =	vst v3  }
0x8c: {  	p0 =	seq.s32 s25, $0x18;
	[tilespmem:s28+$0x10] =	vst v0;
	s28 =	sadd.s32 s2, s29  }
0x8d: {  	[hbm4b:s28+s3] =	stream.linear.scatter [tilespmem:s10], [sflag:$0x3], $0x8000, $0x38;
	[tilespmem:$0x16400] =	vst v63  }
0x8e: {  	s28 =	simm.s32 @!p0 $0x3  }
0x8f: {  	_ =	swait.ge @!p0 [sflag:s28], $0x8000  }
0x90: {  	s29 =	sshll.u32 @!p0 s25, $0xA;
	[sflag:s28] =	ssyncset.done @!p0 $0x0  }
0x91: {  	[sflag:s28] =	ssyncadd.s32 @!p0 $0xFFFF8000;
	s28 =	sand.u32 @!p0 $0x3FFFFC00, s29  }
0x92: {  	s30 =	simm.s32 @!p0 $0x80;
	s31 =	simm.s32 @!p0 $0x6400;
	s29 =	sadd.s32 @!p0 $0x400, s28  }
0x93: {  	[tilespmem:s31], [sflag:$0x1] =	stream.indirect.gather @!p0 [hbm4b:s4+s30], $0x40, s29, s30, $0xb8;
	[tilespmem:$0x16400] =	vst v63  }
0x94: {  	s29 =	sadd.s32 @!p0 $0x480, s28;
	s31 =	simm.s32 @!p0 $0x8400  }
0x95: {  	[tilespmem:s31], [sflag:$0x1] =	stream.indirect.gather @!p0 [hbm4b:s4+s30], $0x40, s29, s30, $0xb8;
	[tilespmem:$0x16400] =	vst v63  }
0x96: {  	s29 =	sadd.s32 @!p0 $0x500, s28;
	s31 =	simm.s32 @!p0 $0xA400  }
0x97: {  	[tilespmem:s31], [sflag:$0x1] =	stream.indirect.gather @!p0 [hbm4b:s4+s30], $0x40, s29, s30, $0xb8;
	[tilespmem:$0x16400] =	vst v63  }
0x98: {  	s28 =	sadd.s32 @!p0 $0x580, s28;
	s29 =	simm.s32 @!p0 $0xC400  }
0x99: {  	[tilespmem:s29], [sflag:$0x1] =	stream.indirect.gather @!p0 [hbm4b:s4+s30], $0x40, s28, s30, $0xb8;
	[tilespmem:$0x16400] =	vst v63  }
0x9a: {  	_ =	swait.ge [sflag:s21], $0x2000  }
0x9b: {  	[sflag:s21] =	ssyncset.done $0x0  }
0x9c: {  	s28 =	simm.s32 $0xE440;
	[sflag:s21] =	ssyncadd.s32 $0xFFFFE000  }
0x9d: {  	v1 =	vld [tilespmem:s28+$0xFFFFFFC0];
	_ =	sdelay $0x1  }
0x9e: {  	v4 =	vld [tilespmem:s28+$0xFFFFFFD0]  }
0x9f: {  	v6 =	vld [tilespmem:s28+$0xFFFFFFE0]  }
0xa0: {  	v2 =	vld [tilespmem:s28+$0x0]  }
0xa1: {  	v0 =	vld [tilespmem:s28+$0x10];
	v5 =	vmul.f32 $8.000000000e+00, v1  }
0xa2: {  	v3 =	vld [tilespmem:s28+$0x20]  }
0xa3: {  	v1 =	vld [tilespmem:s28+$0x30];
	[tilespmem:s28+$0xFFFFFFC0] =	vst v5;
	v5 =	vmul.f32 $8.000000000e+00, v4  }
0xa4: {  	s29 =	simm.s32 $0x0;
	s30 =	simm.s32 $0xE4C0;
	v6 =	vmul.f32 $8.000000000e+00, v6;
	v4 =	vld [tilespmem:s28+$0xFFFFFFF0]  }
.LBB2_11:
0xa5: {  	v7 =	vld [tilespmem:s30+$0xFFFFFFC0];
	[tilespmem:s28+$0xFFFFFFD0] =	vst v5;
	v2 =	vmul.f32 $8.000000000e+00, v2  }
0xa6: {  	s29 =	sadd.s32 $0x2, s29;
	v5 =	vld [tilespmem:s30+$0xFFFFFFD0];
	[tilespmem:s28+$0xFFFFFFE0] =	vst v6;
	v0 =	vmul.f32 $8.000000000e+00, v0  }
0xa7: {  	p0 =	slt.u32 s29, $0x7E;
	v6 =	vld [tilespmem:s30+$0xFFFFFFE0];
	[tilespmem:s28+$0x0] =	vst v2;
	v3 =	vmul.f32 $8.000000000e+00, v3  }
.Ltmp4:
0xa8: {  	v2 =	vld [tilespmem:s30+$0x0];
	[tilespmem:s28+$0x10] =	vst v0;
	v1 =	vmul.f32 $8.000000000e+00, v1;
	(pc) =	sbr.rel @p0 .LBB2_11-.Ltmp4, $4  }
0xa9: {  	v0 =	vld [tilespmem:s30+$0x10];
	v4 =	vmul.f32 $8.000000000e+00, v4;
	[tilespmem:s28+$0x20] =	vst v3  }
0xaa: {  	v7 =	vmul.f32 $8.000000000e+00, v7;
	v3 =	vld [tilespmem:s30+$0x20];
	[tilespmem:s28+$0x30] =	vst v1  }
0xab: {  	v5 =	vmul.f32 $8.000000000e+00, v5;
	v1 =	vld [tilespmem:s30+$0x30];
	[tilespmem:s28+$0xFFFFFFF0] =	vst v4;
	s28 =	smov.u32 s30  }
0xac: {  	s30 =	sadd.s32 $0x80, s30;
	[tilespmem:s28+$0xFFFFFFC0] =	vst v7;
	v6 =	vmul.f32 $8.000000000e+00, v6;
	v4 =	vld [tilespmem:s28+$0xFFFFFFF0]  }
0xad: {  	[tilespmem:s28+$0xFFFFFFD0] =	vst v5;
	v2 =	vmul.f32 $8.000000000e+00, v2  }
0xae: {  	[tilespmem:s28+$0xFFFFFFE0] =	vst v6;
	v0 =	vmul.f32 $8.000000000e+00, v0  }
0xaf: {  	[tilespmem:s28+$0x0] =	vst v2;
	v2 =	vmul.f32 $8.000000000e+00, v3  }
0xb0: {  	[tilespmem:s28+$0x10] =	vst v0;
	v0 =	vmul.f32 $8.000000000e+00, v1  }
0xb1: {  	v1 =	vmul.f32 $8.000000000e+00, v4;
	[tilespmem:s28+$0x20] =	vst v2  }
0xb2: {  	[tilespmem:s28+$0x30] =	vst v0  }
0xb3: {  	[tilespmem:s28+$0xFFFFFFF0] =	vst v1  }
0xb4: {  	_ =	swait.ge [sflag:s21], $0x2000  }
0xb5: {  	[sflag:s21] =	ssyncset.done $0x0  }
0xb6: {  	s28 =	simm.s32 $0x10470;
	[sflag:s21] =	ssyncadd.s32 $0xFFFFE000  }
0xb7: {  	v1 =	vld [tilespmem:s28+$0xFFFFFF90]  }
0xb8: {  	v4 =	vld [tilespmem:s28+$0xFFFFFFA0]  }
0xb9: {  	v6 =	vld [tilespmem:s28+$0xFFFFFFB0]  }
0xba: {  	v2 =	vld [tilespmem:s28+$0xFFFFFFC0]  }
0xbb: {  	v0 =	vld [tilespmem:s28+$0xFFFFFFD0]  }
0xbc: {  	v3 =	vld [tilespmem:s28+$0xFFFFFFE0];
	v7 =	vmul.f32 $8.000000000e+00, v1  }
0xbd: {  	v1 =	vld [tilespmem:s28+$0x0];
	v5 =	vmul.f32 $8.000000000e+00, v4  }
0xbe: {  	s29 =	simm.s32 $0x80;
	s30 =	simm.s32 $0x104F0;
	v6 =	vmul.f32 $8.000000000e+00, v6;
	v4 =	vld [tilespmem:s28+$0xFFFFFFF0];
	[tilespmem:s28+$0xFFFFFF90] =	vst v7  }
.LBB2_13:
0xbf: {  	v7 =	vld [tilespmem:s30+$0xFFFFFF90];
	[tilespmem:s28+$0xFFFFFFA0] =	vst v5;
	v2 =	vmul.f32 $8.000000000e+00, v2  }
0xc0: {  	s29 =	sadd.s32 $0x2, s29;
	v5 =	vld [tilespmem:s30+$0xFFFFFFA0];
	[tilespmem:s28+$0xFFFFFFB0] =	vst v6;
	v0 =	vmul.f32 $8.000000000e+00, v0  }
0xc1: {  	p0 =	slt.u32 s29, $0xFE;
	v6 =	vld [tilespmem:s30+$0xFFFFFFB0];
	[tilespmem:s28+$0xFFFFFFC0] =	vst v2;
	v3 =	vmul.f32 $8.000000000e+00, v3  }
.Ltmp5:
0xc2: {  	v2 =	vld [tilespmem:s30+$0xFFFFFFC0];
	[tilespmem:s28+$0xFFFFFFD0] =	vst v0;
	v1 =	vmul.f32 $8.000000000e+00, v1;
	(pc) =	sbr.rel @p0 .LBB2_13-.Ltmp5, $4  }
0xc3: {  	v0 =	vld [tilespmem:s30+$0xFFFFFFD0];
	[tilespmem:s28+$0xFFFFFFE0] =	vst v3;
	v4 =	vmul.f32 $8.000000000e+00, v4  }
0xc4: {  	v7 =	vmul.f32 $8.000000000e+00, v7;
	v3 =	vld [tilespmem:s30+$0xFFFFFFE0];
	[tilespmem:s28+$0x0] =	vst v1  }
0xc5: {  	v5 =	vmul.f32 $8.000000000e+00, v5;
	v1 =	vld [tilespmem:s30+$0x0];
	[tilespmem:s28+$0xFFFFFFF0] =	vst v4;
	s28 =	smov.u32 s30  }
0xc6: {  	s30 =	sadd.s32 $0x80, s30;
	[tilespmem:s28+$0xFFFFFF90] =	vst v7;
	v6 =	vmul.f32 $8.000000000e+00, v6;
	v4 =	vld [tilespmem:s28+$0xFFFFFFF0]  }
0xc7: {  	[tilespmem:s28+$0xFFFFFFA0] =	vst v5;
	v2 =	vmul.f32 $8.000000000e+00, v2  }
0xc8: {  	[tilespmem:s28+$0xFFFFFFB0] =	vst v6;
	v0 =	vmul.f32 $8.000000000e+00, v0  }
0xc9: {  	[tilespmem:s28+$0xFFFFFFC0] =	vst v2;
	v2 =	vmul.f32 $8.000000000e+00, v3  }
0xca: {  	[tilespmem:s28+$0xFFFFFFD0] =	vst v0;
	v0 =	vmul.f32 $8.000000000e+00, v1  }
0xcb: {  	[tilespmem:s28+$0xFFFFFFE0] =	vst v2;
	v1 =	vmul.f32 $8.000000000e+00, v4  }
0xcc: {  	[tilespmem:s28+$0x0] =	vst v0  }
0xcd: {  	[tilespmem:s28+$0xFFFFFFF0] =	vst v1  }
0xce: {  	_ =	swait.ge [sflag:s21], $0x2000  }
0xcf: {  	[sflag:s21] =	ssyncset.done $0x0  }
0xd0: {  	s28 =	simm.s32 $0x12400;
	[sflag:s21] =	ssyncadd.s32 $0xFFFFE000  }
0xd1: {  	v0 =	vld [tilespmem:s28+$0x20]  }
0xd2: {  	v5 =	vld [tilespmem:s28+$0x0]  }
0xd3: {  	v6 =	vld [tilespmem:s28+$0x70]  }
0xd4: {  	v4 =	vld [tilespmem:s28+$0x60]  }
0xd5: {  	v1 =	vld [tilespmem:s28+$0x50]  }
0xd6: {  	v2 =	vld [tilespmem:s28+$0x40];
	v7 =	vmul.f32 $8.000000000e+00, v0  }
0xd7: {  	v3 =	vld [tilespmem:s28+$0x30];
	v5 =	vmul.f32 $8.000000000e+00, v5  }
0xd8: {  	s29 =	simm.s32 $0x100;
	s30 =	simm.s32 $0x12480;
	v0 =	vld [tilespmem:s28+$0x10];
	v6 =	vmul.f32 $8.000000000e+00, v6;
	[tilespmem:s28+$0x20] =	vst v7  }
.LBB2_15:
0xd9: {  	v7 =	vld [tilespmem:s30+$0x20];
	s29 =	sadd.s32 $0x2, s29;
	[tilespmem:s28+$0x0] =	vst v5;
	v4 =	vmul.f32 $8.000000000e+00, v4  }
0xda: {  	v5 =	vld [tilespmem:s30+$0x0];
	p0 =	slt.u32 s29, $0x17E;
	v1 =	vmul.f32 $8.000000000e+00, v1;
	[tilespmem:s28+$0x70] =	vst v6  }
0xdb: {  	v6 =	vld [tilespmem:s30+$0x70];
	v2 =	vmul.f32 $8.000000000e+00, v2;
	[tilespmem:s28+$0x60] =	vst v4  }
.Ltmp6:
0xdc: {  	v4 =	vld [tilespmem:s30+$0x60];
	v3 =	vmul.f32 $8.000000000e+00, v3;
	[tilespmem:s28+$0x50] =	vst v1;
	(pc) =	sbr.rel @p0 .LBB2_15-.Ltmp6, $4  }
0xdd: {  	v1 =	vld [tilespmem:s30+$0x50];
	v0 =	vmul.f32 $8.000000000e+00, v0;
	[tilespmem:s28+$0x40] =	vst v2  }
0xde: {  	v7 =	vmul.f32 $8.000000000e+00, v7;
	v2 =	vld [tilespmem:s30+$0x40];
	[tilespmem:s28+$0x30] =	vst v3  }
0xdf: {  	v5 =	vmul.f32 $8.000000000e+00, v5;
	v3 =	vld [tilespmem:s30+$0x30];
	[tilespmem:s28+$0x10] =	vst v0;
	s28 =	smov.u32 s30  }
0xe0: {  	s30 =	sadd.s32 $0x80, s30;
	v0 =	vld [tilespmem:s28+$0x10];
	[tilespmem:s28+$0x20] =	vst v7;
	v6 =	vmul.f32 $8.000000000e+00, v6  }
0xe1: {  	[tilespmem:s28+$0x0] =	vst v5;
	v4 =	vmul.f32 $8.000000000e+00, v4  }
0xe2: {  	v1 =	vmul.f32 $8.000000000e+00, v1;
	[tilespmem:s28+$0x70] =	vst v6  }
0xe3: {  	v2 =	vmul.f32 $8.000000000e+00, v2;
	[tilespmem:s28+$0x60] =	vst v4  }
0xe4: {  	v3 =	vmul.f32 $8.000000000e+00, v3;
	[tilespmem:s28+$0x50] =	vst v1  }
0xe5: {  	v0 =	vmul.f32 $8.000000000e+00, v0;
	[tilespmem:s28+$0x40] =	vst v2  }
0xe6: {  	[tilespmem:s28+$0x30] =	vst v3  }
0xe7: {  	[tilespmem:s28+$0x10] =	vst v0  }
0xe8: {  	_ =	swait.ge [sflag:s21], $0x2000  }
0xe9: {  	[sflag:s21] =	ssyncset.done $0x0  }
0xea: {  	s28 =	simm.s32 $0x14400;
	[sflag:s21] =	ssyncadd.s32 $0xFFFFE000  }
0xeb: {  	v0 =	vld [tilespmem:s28+$0x20]  }
0xec: {  	v5 =	vld [tilespmem:s28+$0x0]  }
0xed: {  	v6 =	vld [tilespmem:s28+$0x70]  }
0xee: {  	v4 =	vld [tilespmem:s28+$0x60]  }
0xef: {  	v1 =	vld [tilespmem:s28+$0x50]  }
0xf0: {  	v2 =	vld [tilespmem:s28+$0x40];
	v7 =	vmul.f32 $8.000000000e+00, v0  }
0xf1: {  	v3 =	vld [tilespmem:s28+$0x30];
	v5 =	vmul.f32 $8.000000000e+00, v5  }
0xf2: {  	s29 =	simm.s32 $0x180;
	s30 =	simm.s32 $0x14480;
	v0 =	vld [tilespmem:s28+$0x10];
	v6 =	vmul.f32 $8.000000000e+00, v6;
	[tilespmem:s28+$0x20] =	vst v7  }
.LBB2_17:
0xf3: {  	v7 =	vld [tilespmem:s30+$0x20];
	s29 =	sadd.s32 $0x2, s29;
	[tilespmem:s28+$0x0] =	vst v5;
	v4 =	vmul.f32 $8.000000000e+00, v4  }
0xf4: {  	v5 =	vld [tilespmem:s30+$0x0];
	p0 =	slt.u32 s29, $0x1FE;
	v1 =	vmul.f32 $8.000000000e+00, v1;
	[tilespmem:s28+$0x70] =	vst v6  }
0xf5: {  	v6 =	vld [tilespmem:s30+$0x70];
	v2 =	vmul.f32 $8.000000000e+00, v2;
	[tilespmem:s28+$0x60] =	vst v4  }
.Ltmp7:
0xf6: {  	v4 =	vld [tilespmem:s30+$0x60];
	v3 =	vmul.f32 $8.000000000e+00, v3;
	[tilespmem:s28+$0x50] =	vst v1;
	(pc) =	sbr.rel @p0 .LBB2_17-.Ltmp7, $4  }
0xf7: {  	v1 =	vld [tilespmem:s30+$0x50];
	v0 =	vmul.f32 $8.000000000e+00, v0;
	[tilespmem:s28+$0x40] =	vst v2  }
0xf8: {  	v7 =	vmul.f32 $8.000000000e+00, v7;
	v2 =	vld [tilespmem:s30+$0x40];
	[tilespmem:s28+$0x30] =	vst v3  }
0xf9: {  	v5 =	vmul.f32 $8.000000000e+00, v5;
	v3 =	vld [tilespmem:s30+$0x30];
	[tilespmem:s28+$0x10] =	vst v0;
	s28 =	smov.u32 s30  }
0xfa: {  	s30 =	sadd.s32 $0x80, s30;
	v0 =	vld [tilespmem:s28+$0x10];
	[tilespmem:s28+$0x20] =	vst v7;
	v6 =	vmul.f32 $8.000000000e+00, v6  }
0xfb: {  	[tilespmem:s28+$0x0] =	vst v5;
	v4 =	vmul.f32 $8.000000000e+00, v4  }
0xfc: {  	s25 =	sadd.s32 $0x1, s25;
	v1 =	vmul.f32 $8.000000000e+00, v1;
	[tilespmem:s28+$0x70] =	vst v6  }
0xfd: {  	p0 =	sne.s32 s25, $0x19;
	v2 =	vmul.f32 $8.000000000e+00, v2;
	[tilespmem:s28+$0x60] =	vst v4  }
.Ltmp8:
0xfe: {  	s26 =	sshll.u32 s26, $0xF;
	v3 =	vmul.f32 $8.000000000e+00, v3;
	[tilespmem:s28+$0x50] =	vst v1;
	(pc) =	sbr.rel @p0 .LBB2_2-.Ltmp8, $4  }
0xff: {  	s26 =	sadd.s32 s6, s26;
	v0 =	vmul.f32 $8.000000000e+00, v0;
	[tilespmem:s28+$0x40] =	vst v2  }
0x100: {  	s26 =	sshrl.u32 s26, $0x3;
	[tilespmem:s28+$0x30] =	vst v3  }
0x101: {  	s26 =	sadd.s32 s2, s26;
	[tilespmem:s28+$0x10] =	vst v0  }
0x102: {  	[hbm4b:s26+s3] =	stream.linear.scatter [tilespmem:s16], [sflag:$0x4], $0x8000, $0x38;
	[tilespmem:$0x16400] =	vst v63  }
0x103: {  	s24 =	sadd.s32 $0x1, s24  }
0x104: {  	_ =	swait.ge [sflag:s22], $0x8000;
	p0 =	sne.s32 s24, s7  }
.Ltmp9:
0x105: {  	[sflag:s22] =	ssyncset.done $0x0;
	(pc) =	sbr.rel @p0 .LBB2_1-.Ltmp9, $4  }
0x106: {  	[sflag:s22] =	ssyncadd.s32 $0xFFFF8000  }
0x107: {  	_ =	swait.ge [sflag:s23], $0x8000  }
0x108: {  	[sflag:s23] =	ssyncset.done $0x0  }
0x109: {  	[sflag:s23] =	ssyncadd.s32 $0xFFFF8000  }
0x10a: {  	_ =	sfence.sel $0x180000  }
0x10b: {  	[bflag:$0x0] =	sbarrier.arrive $0xFFFF  }
0x10c: {  	p0 =	sne.s32 s0, $0x0;
	_ =	strace $0x90000047  }
0x10d: {  	s0 =	sadd.s32 @!p0 $0x100000, s1;
	[bflag:$0x2] =	sbarrier.arrive $0xFFFF  }
0x10e: {  	[sflag:s0] =	ssyncadd.tile.s32 @!p0 $0x1;
	_ =	shalt  }
.Lfunc_end2:
_tile_overlayer_lowered:
.L_overlay_start_2:
0x10f: {  	(tag) =	ssettag $0x2  }
0x110: {  	s0 =	rddreg [dreg:$0x0];
	s2 =	stileid.u32  }
0x111: {  	s1 =	rddreg [dreg:$0x1];
	p0 =	sne.s32 s2, $0x0  }
0x112: {  	s3 =	rddreg [dreg:$0x2];
	[bflag:$0x3] =	sbarrier.arrive $0xFFFF;
	s2 =	simm.s32 @!p0 $0x1C05  }
0x113: {  	[timem:s3], [sflag:s2] =	dma.local @!p0 [hbm:s0], s1  }
0x114: {  	s0 =	simm.s32 @!p0 $0x5  }
0x115: {  	_ =	swait.ge @!p0 [sflag:s0], s1  }
0x116: {  	s1 =	ssub.s32 @!p0 $0x0, s1;
	[sflag:s0] =	ssyncset.done @!p0 $0x0  }
0x117: {  	[sflag:s0] =	ssyncadd.s32 @!p0 s1  }
0x118: {  	[bflag:$0x3] =	sbarrier.arrive $0xFFFF  }
0x119: {  	_ =	shalt  }

// kernel: sparse-core-data-format-call.cloned.1.call-start
scs
called_computation_lowered:
.L_overlay_start_0:
0x0: {  	s2 =	sld [smem:$0x3FD9]  }
0x1: {  	s3 =	sld [smem:$0x3FFE];
	_ =	sdelay $0x1  }
0x2: {  	s1 =	srdreg.scid  }
0x3: {  	s0 =	sand.u32 $0x1, s1  }
0x4: {  	s18 =	sshll.u32 s0, $0xA;
	s2 =	sadd.s32 s3, s2  }
0x5: {  	s2 =	sadd.s32 s2, s18  }
0x6: {  	[smem:$0x3FC6] =	sst s2  }
0x7: {  	_ = 	snop  }
0x8: {  	s2 =	sld [smem:$0x3FD0];
	(tm) =	ssettm $0x1  }
0x9: {  	s19 =	sld [smem:$0x3FFB];
	_ =	sdelay $0x3  }
0xa: {  	_ =	strace s19  }
0xb: {  	s3 =	sld [smem:$0x3FFC];
	_ =	sdelay $0x3  }
0xc: {  	_ =	strace s3  }
0xd: {  	s3 =	sld [smem:$0x3FFD];
	_ =	sdelay $0x3  }
0xe: {  	_ =	strace s3  }
0xf: {  	_ =	strace $0x8FFFFFFF  }
0x10: {  	s20 =	sld [smem:$0x3FDB];
	_ =	sdelay $0x1  }
0x11: {  	s4 =	simm.s32 $_scs_section_size  }
0x12: {  	s5 =	simm.s32 $_size__tile_overlayer_lowered;
	s6 =	simm.s32 $_tile_overlayer_lowered  }
0x13: {  	s23 =	simm.s32 $0x1BFF;
	s22 =	sshll.u32 s6, $0x1;
	s3 =	sadd.s32 s4, s20  }
0x14: {  	s7 =	simm.s32 $0x0;
	s21 =	sshll.u32 s5, $0x1;
	s5 =	sadd.s32 s22, s3  }
0x15: {  	[timem:s7], [sflag:s23] =	dma.local [hbm:s5], s21  }
0x16: {  	_ =	swait.ge [sflag:s23], s21  }
0x17: {  	s4 =	ssub.s32 $0x0, s21;
	[sflag:s23] =	ssyncset.done $0x0  }
0x18: {  	[sflag:s23] =	ssyncadd.s32 s4;
	_ =	sdelay $0x1  }
0x19: {  	s24 =	simm.s32 $0x1B8B  }
0x1a: {  	_ =	swait.ge [sflag:s24], $0x1  }
0x1b: {  	[sflag:s24] =	ssyncset.done $0x0  }
0x1c: {  	s26 =	simm.s32 $0x1B8E;
	s25 =	sld [smem:$0x3FFE];
	[sflag:s24] =	ssyncadd.s32 $0xFFFFFFFF  }
0x1d: {  	s27 =	simm.s32 $execute0_lowered;
	[smem:$0x3FD2] =	sst s26  }
0x1e: {  	s5 =	sshll.u32 s27, $0x1;
	_ =	strace $0x80000049;
	[dreg:$0x1] =	wrdreg $0xFFFFFFFF  }
0x1f: {  	s28 =	simm.s32 $_size_execute0_lowered;
	s3 =	sadd.s32 s3, s5;
	[dreg:$0x0] =	wrdreg $0x0  }
0x20: {  	s5 =	sshll.u32 s28, $0x1;
	[dreg:$0x2] =	wrdreg s3  }
0x21: {  	[dreg:$0x3] =	wrdreg s5  }
0x22: {  	[dreg:$0x4] =	wrdreg $0xC0  }
0x23: {  	_ =	task [dreg:s7], $0x5FFFF  }
0x24: {  	[dreg:$0x1] =	wrdreg $0xFFFFFFFF  }
0x25: {  	[dreg:$0x0] =	wrdreg $0x60  }
0x26: {  	[dreg:$0x2] =	wrdreg s25  }
0x27: {  	[dreg:$0x3] =	wrdreg s2  }
0x28: {  	[dreg:$0x4] =	wrdreg $0x9  }
0x29: {  	_ =	task.clear_ibuf [dreg:s7], $0x5FFFF;
	_ =	strace $0x90000049  }
0x2a: {  	s29 =	simm.s32 $0x9;
	_ =	strace $0x8000004B  }
0x2b: {  	_ =	swait.ge [sflag:s29], $0x1  }
0x2c: {  	[sflag:s29] =	ssyncadd.s32 $0xFFFFFFFF  }
0x2d: {  	_ =	strace $0x9000004B  }
0x2e: {  	_ =	sfence  }
0x2f: {  	s30 =	sld [smem:$0x0];
	_ =	sdelay $0x2  }
0x30: {  	s31 =	sshll.u32 s1, $0xD;
	s1 =	sshrl.u32 s1, $0x2  }
0x31: {  	s3 =	sand.u32 $0x4000, s31;
	s1 =	sadd.s32 s1, s30  }
0x32: {  	s0 =	sor.u32 s3, s0;
	s1 =	sshll.u32 s1, $0x11  }
0x33: {  	s0 =	sor.u32 s1, s0  }
0x34: {  	s0 =	sadd.s32 $0x8F2B, s0  }
0x35: {  	[sflag:s0] =	ssyncadd.remote.s32 $0x1  }
0x36: {  	_ =	sfence.sel $0xFFFF  }
0x37: {  	[dreg:$0x0] =	wrdreg $0xFFFFFFFF;
	(pc) =	sbr.abs _section_cstart, $3  }
0x38: {  	[dreg:$0x1] =	wrdreg $0xFFFFFFFF  }
0x39: {  	_ =	task.clear_ibuf [dreg:s7], $0x2FFFF;
	_ =	strace $0x9FFFFFFF  }
0x3a: {  	(tm) =	ssettm $0x7FFFFFFF  }
0x3b: {  	_ =	shalt  }
tec
execute0_lowered:
.L_overlay_start_1:
0x0: {  	(tag) =	ssettag $0x1  }
0x1: {  	s0 =	srdreg.scid  }
0x2: {  	s1 =	sshll.u32 s0, $0x4  }
0x3: {  	s0 =	stileid.u32;
	s1 =	sand.u32 $0x10, s1  }
0x4: {  	s1 =	sor.u32 s0, s1  }
0x5: {  	s6 =	rddreg [dreg:$0x0];
	s4 =	simm.s32 $0x1;
	s2 =	sshll.u32 s1, $0x7  }
0x6: {  	s7 =	simm.s32 $0x2;
	s12 =	simm.s32 $0x0;
	s1 =	ssub.s32 $0x1000, s2  }
0x7: {  	s8 =	simm.s32 $0x8000;
	s13 =	simm.s32 $0x0;
	s3 =	sand.u32 $0xF80, s1  }
0x8: {  	s9 =	simm.s32 $0x0;
	s5 =	sshrl.u32 s1, $0xC;
	p0 =	sne.s32 s3, $0x0  }
.Ltmp0:
0x9: {  	s1 =	rddreg [dreg:$0x2];
	s4 =	simm.s32 @!p0 $0x0;
	(pc) =	sbr.rel .LBB1_1-.Ltmp0, $4  }
0xa: {  	s11 =	simm.s32 $0x0;
	s3 =	rddreg [dreg:$0x1];
	s5 =	sadd.s32 s4, s5  }
0xb: {  	_ =	strace $0x8000004A;
	s4 =	simm.s32 $0x1;
	s5 =	smul.u32 $0xC8, s5  }
0xc: {  	s6 =	sadd.s32 $0xA00, s6;
	s10 =	smov.u32 s2;
	[sflag:s4] =	ssyncpa.u1 $0x0  }
0xd: {  	p0 =	por $0x0, $0x0;
	[sflag:s7] =	ssyncpa.u1 $0x0;
	s7 =	sor.u32 $0x1, s5  }
.LBB1_4:
0xe: {  	s16 =	sshll.u32 s13, $0x3;
	s17 =	sand.u32 $0x78, s13  }
0xf: {  	s30 =	sand.u32 $0x7E00, s13;
	s12 =	sshll.u32 s12, $0xF;
	s16 =	sand.u32 $0xC00, s16  }
0x10: {  	[tilespmem:s15+$0x810 ss:$0x81] =	vst.msk $0xffff, v2;
	s31 =	sand.u32 $0x7, s13;
	s16 =	sor.u32 s17, s16;
	s17 =	sadd.s32 s3, s30  }
0x11: {  	[tilespmem:s15+$0x1020 ss:$0x81] =	vst.msk $0xffff, v0;
	s13 =	sshll.u32 s31, $0x12;
	s12 =	sadd.s32 s12, s17;
	s16 =	sshrl.u32 s16, $0x3  }
0x12: {  	[tilespmem:s15+$0x0 ss:$0x81] =	vst.msk $0xffff, v1;
	s13 =	sor.u32 $0x400, s13;
	s12 =	sadd.s32 s16, s12  }
0x13: {  	[hbm4b:s12+s13] =	stream.strided.scatter [tilespmem:s14], [sflag:$0x2], $0x2000, s8, s13, $0x20;
	[tilespmem:$0x8080] =	vst v63  }
.LBB1_5:
0x14: {  	s14 =	sadd.s32 $0x1, s9  }
0x15: {  	s12 =	sadd.s32 $0x1000, s10;
	s16 =	smov.u32 s10;
	p2 =	sgt.s32 s14, $0xC7  }
0x16: {  	s16 =	smov.u32 @p2 s12  }
0x17: {  	s14 =	simm.s32 @p2 $0x0;
	p2 =	sgt.s32 s16, $0xFFF  }
0x18: {  	s16 =	smov.u32 @p2 s2;
	p2 =	sne.s32 s11, s7  }
.Ltmp1:
0x19: {  	p1 =	slt.u32 s11, $0x2;
	(pc) =	sbr.rel @!p2 .LBB1_6-.Ltmp1, $4  }
0x1a: {  	s15 =	simm.s32 @!p1 $0x2  }
0x1b: {  	s13 =	smov.u32 s10;
	p0 =	por !p0, !p0;
	_ =	swait.ge @!p1 [sflag:s15], $0x2000  }
0x1c: {  	s12 =	smov.u32 s9;
	[sflag:s15] =	ssyncset.done @!p1 $0x0;
	s9 =	smov.u32 s14  }
0x1d: {  	s11 =	sadd.s32 $0x1, s11;
	[sflag:s15] =	ssyncadd.s32 @!p1 $0xFFFFE000;
	s10 =	smov.u32 s16  }
.LBB1_1:
0x1e: {  	p1 =	sge.u32 s11, s5  }
0x1f: {  	s14 =	sand.u32 @!p1 $0x1FFFFFF, s9  }
0x20: {  	s15 =	smulhi.u32 @!p1 $0x147AE15, s14;
	_ =	sdelay $0x1  }
0x21: {  	s15 =	smul.u32 @!p1 $0xC8, s15  }
0x22: {  	s16 =	sxor.u32 @!p1 $0xFFFFFFFF, s11;
	s17 =	smul.u32 @!p1 $0xC80, s10  }
0x23: {  	s31 =	sadd.s32 $0xFFFFFFFF, s11;
	s16 =	sshll.u32 @!p1 s16, $0xD;
	s14 =	ssub.s32 @!p1 s14, s15  }
0x24: {  	s15 =	sand.u32 @!p1 $0x2000, s16;
	s16 =	sadd.s32 @!p1 s6, s17;
	s14 =	sshll.u32 @!p1 s14, $0x4  }
0x25: {  	s17 =	simm.s32 @!p1 $0x6400;
	s14 =	sadd.s32 @!p1 s14, s16;
	s16 =	simm.s32 @!p1 $0x40  }
0x26: {  	[tilespmem:s15], [sflag:$0x1] =	stream.strided.gather @!p1 [hbm4b:s14+s16], $0x2000, s17, s16, $0x38;
	[tilespmem:$0x8080] =	vst v63  }
0x27: {  	p1 =	sge.u32 s31, s5  }
.Ltmp2:
0x28: {  	_ = 	snop;
	(pc) =	sbr.rel @p1 .LBB1_5-.Ltmp2, $1  }
0x29: {  	_ =	sdelay $0x3  }
0x2a: {  	s14 =	simm.s32 $0x1  }
0x2b: {  	_ =	swait.ge [sflag:s4], $0x2000;
	s14 =	simm.s32 @!p0 $0x0  }
0x2c: {  	[sflag:s4] =	ssyncset.done $0x0;
	s15 =	sshll.u32 s14, $0xD  }
0x2d: {  	[sflag:s4] =	ssyncadd.s32 $0xFFFFE000;
	s18 =	sor.u32 $0x20, s15  }
0x2e: {  	s14 =	smul.u32 $0x8100, s14;
	v3 =	vld [tilespmem:s18+$0x10]  }
0x2f: {  	s30 =	sand.u32 $0x1, s11;
	v2 =	vld [tilespmem:s18+$0xFFFFFFF0]  }
0x30: {  	s15 =	smul.u32 $0x8100, s30;
	s14 =	sshrl.u32 s14, $0x2;
	v0 =	vld [tilespmem:s18+$0x0]  }
0x31: {  	v1 =	vld [tilespmem:s18+$0xFFFFFFE0];
	s16 =	sor.u32 $0x4000, s14  }
0x32: {  	s31 =	sshrl.u32 s15, $0x2;
	s15 =	sadd.s32 $0x0, s16  }
0x33: {  	s17 =	simm.s32 $0x4;
	s18 =	sadd.s32 $0x40, s18;
	s14 =	sor.u32 $0x4000, s31;
	[tilespmem:s15+$0x1830 ss:$0x81] =	vst.msk $0xffff, v3  }
.LBB1_3:
0x34: {  	v3 =	vld [tilespmem:s18+$0x10];
	p1 =	sne.s32 s17, $0x1FC;
	[tilespmem:s15+$0x810 ss:$0x81] =	vst.msk $0xffff, v2;
	s19 =	smov.u32 s17;
	s17 =	sadd.s32 $0x4, s17  }
.Ltmp3:
0x35: {  	v2 =	vld [tilespmem:s18+$0xFFFFFFF0];
	[tilespmem:s15+$0x1020 ss:$0x81] =	vst.msk $0xffff, v0;
	(pc) =	sbr.rel @p1 .LBB1_3-.Ltmp3, $4  }
0x36: {  	v0 =	vld [tilespmem:s18+$0x0];
	[tilespmem:s15+$0x0 ss:$0x81] =	vst.msk $0xffff, v1  }
0x37: {  	s15 =	sshra.s32 s19, $0x2;
	v1 =	vld [tilespmem:s18+$0xFFFFFFE0]  }
0x38: {  	s15 =	sadd.s32 s15, s16  }
0x39: {  	s18 =	sadd.s32 $0x40, s18;
	[tilespmem:s15+$0x1830 ss:$0x81] =	vst.msk $0xffff, v3  }
.Ltmp4:
0x3a: {  	_ = 	snop;
	(pc) =	sbr.rel .LBB1_4-.Ltmp4, $1  }
0x3b: {  	_ =	sdelay $0x3  }
.LBB1_6:
0x3c: {  	_ =	sfence.sel $0x180000  }
0x3d: {  	s2 =	simm.s32 $0x1;
	[bflag:$0x0] =	sbarrier.arrive $0xFFFF  }
0x3e: {  	s31 =	simm.s32 $0x2;
	[sflag:s2] =	ssyncpa.u1 $0x1  }
0x3f: {  	[sflag:s31] =	ssyncpa.u1 $0x1  }
0x40: {  	p0 =	sne.s32 s0, $0x0;
	_ =	strace $0x9000004A  }
0x41: {  	s0 =	sadd.s32 @!p0 $0x100000, s1;
	[bflag:$0x2] =	sbarrier.arrive $0xFFFF  }
0x42: {  	[sflag:s0] =	ssyncadd.tile.s32 @!p0 $0x1;
	_ =	shalt  }
.Lfunc_end1:
_tile_overlayer_lowered:
.L_overlay_start_2:
0x43: {  	(tag) =	ssettag $0x2  }
0x44: {  	s0 =	rddreg [dreg:$0x0];
	s2 =	stileid.u32  }
0x45: {  	s1 =	rddreg [dreg:$0x1];
	p0 =	sne.s32 s2, $0x0  }
0x46: {  	s3 =	rddreg [dreg:$0x2];
	[bflag:$0x3] =	sbarrier.arrive $0xFFFF;
	s2 =	simm.s32 @!p0 $0x1C01  }
0x47: {  	[timem:s3], [sflag:s2] =	dma.local @!p0 [hbm:s0], s1  }
0x48: {  	s0 =	simm.s32 @!p0 $0x1  }
0x49: {  	_ =	swait.ge @!p0 [sflag:s0], s1  }
0x4a: {  	s1 =	ssub.s32 @!p0 $0x0, s1;
	[sflag:s0] =	ssyncset.done @!p0 $0x0  }
0x4b: {  	[sflag:s0] =	ssyncadd.s32 @!p0 s1  }
0x4c: {  	[bflag:$0x3] =	sbarrier.arrive $0xFFFF  }
0x4d: {  	_ =	shalt  }

</sc_bundles>
